<compile_context>
chip_gen: v7x
topology: tpu7x:2x2x1
jax: 0.10.2.dev20260603
libtpu: 0.0.44.dev20260713+nightly
codegen_flags: <defaults>
</compile_context>

<pallas_src>
import functools
import math

import jax
import jax.numpy as jnp
import numpy as np
from jax import lax
from jax.experimental import pallas as pl
from jax.experimental.pallas import tpu as pltpu
from jax.experimental.pallas import tpu_sc as plsc

D_MODEL = 128
SEQ = 200
BATCH = 1024
SCALE = math.sqrt(D_MODEL)

NC = 2
NS = 16
NW = NC * NS

TOTAL_ROWS = BATCH * SEQ
ROWS_PER_W = TOTAL_ROWS // NW
CHUNK = 128
NCHUNK = ROWS_PER_W // CHUNK
LANES = 16
VECS_PER_ROW = D_MODEL // LANES
PE_EXP = SEQ + CHUNK
NBUF = 4


def _make_pe_np():
    position = np.arange(SEQ, dtype=np.float32)[:, None]
    div_term = np.exp(
        np.arange(0, D_MODEL, 2, dtype=np.float32) * (-math.log(10000.0) / D_MODEL)
    )
    pe = np.zeros((SEQ, D_MODEL), dtype=np.float32)
    pe[:, 0::2] = np.sin(position * div_term)
    pe[:, 1::2] = np.cos(position * div_term)
    pe_exp = np.concatenate([pe, pe[: PE_EXP - SEQ]], axis=0)
    return np.ascontiguousarray(pe_exp / np.float32(SCALE), dtype=np.float32)


_PE_DIV_NP = _make_pe_np()

_DIAG_SKIP_SCALE = True
_DIAG_NO_PF = True
_DIAG_NO_GA = False
_DIAG_NO_WB = False

_mesh = plsc.VectorSubcoreMesh(core_axis_name="c", subcore_axis_name="s")


@functools.partial(
    pl.kernel,
    mesh=_mesh,
    out_type=jax.ShapeDtypeStruct((TOTAL_ROWS, D_MODEL), jnp.float32),
    scratch_types=[
        pltpu.VMEM((ROWS_PER_W,), jnp.int32),
        pltpu.VMEM((CHUNK, D_MODEL), jnp.float32),
        pltpu.VMEM((CHUNK, D_MODEL), jnp.float32),
        pltpu.VMEM((CHUNK, D_MODEL), jnp.float32),
        pltpu.VMEM((CHUNK, D_MODEL), jnp.float32),
        pltpu.VMEM_SHARED((PE_EXP, D_MODEL), jnp.float32),
        pltpu.SemaphoreType.DMA((NBUF,)),
        pltpu.SemaphoreType.DMA((NBUF,)),
        pltpu.SemaphoreType.DMA((NBUF,)),
    ],
)
def _sc_embed(table_hbm, idx_hbm, pe_hbm, out_hbm,
              idx_all, rb0, rb1, rb2, rb3, pe_sh, pf_sem, ga_sem, wb_sem):
    wid = lax.axis_index("s") * NC + lax.axis_index("c")
    base = wid * ROWS_PER_W
    rows = (rb0, rb1, rb2, rb3)

    @pl.when(lax.axis_index("s") == 0)
    def _():
        pltpu.sync_copy(pe_hbm, pe_sh)

    pltpu.sync_copy(idx_hbm.at[pl.ds(base, ROWS_PER_W)], idx_all)
    plsc.subcore_barrier()

    def pf_start(c, m):
        if _DIAG_NO_PF:
            return
        p0 = lax.rem(c * CHUNK, SEQ)
        pltpu.async_copy(pe_sh.at[pl.ds(p0, CHUNK)], rows[m], pf_sem.at[m])

    def pf_wait(m):
        if _DIAG_NO_PF:
            return
        pltpu.make_async_copy(pe_sh.at[pl.ds(0, CHUNK)], rows[m],
                              pf_sem.at[m]).wait()

    def ga_start(c, m):
        if _DIAG_NO_GA:
            return
        pltpu.async_copy(
            table_hbm.at[idx_all.at[pl.ds(c * CHUNK, CHUNK)]], rows[m],
            ga_sem.at[m], add=True)

    def ga_wait(m):
        if _DIAG_NO_GA:
            return
        pltpu.make_async_copy(
            table_hbm.at[idx_all.at[pl.ds(0, CHUNK)]], rows[m],
            ga_sem.at[m]).wait()

    def wb_start(c, m):
        if _DIAG_NO_WB:
            return
        pltpu.async_copy(rows[m], out_hbm.at[pl.ds(base + c * CHUNK, CHUNK)],
                         wb_sem.at[m])

    def wb_wait(m):
        if _DIAG_NO_WB:
            return
        pltpu.make_async_copy(rows[m], out_hbm.at[pl.ds(base, CHUNK)],
                              wb_sem.at[m]).wait()

    def scale_pass(rv):
        def row_body(i4, _):
            for r in range(4):
                i = i4 * 4 + r
                for j in range(VECS_PER_ROW):
                    sl = pl.ds(j * LANES, LANES)
                    rv[i, sl] = rv[i, sl] * SCALE
            return 0
        lax.fori_loop(0, CHUNK // 4, row_body, 0)

    def step(c, r, first=False, pf_c2=True, ga_c1=True):
        if not first:
            wb_wait((r + 2) % NBUF)
        if pf_c2:
            pf_start(c + 2, (r + 2) % NBUF)
        if ga_c1:
            pf_wait((r + 1) % NBUF)
            ga_start(c + 1, (r + 1) % NBUF)
        ga_wait(r)
        if _DIAG_SKIP_SCALE:
            pass
        else:
            scale_pass(rows[r])
        wb_start(c, r)

    pf_start(0, 0)
    pf_start(1, 1)
    pf_wait(0)
    ga_start(0, 0)

    step(0, 0, first=True)
    step(1, 1, first=True)

    def group(c4, _):
        c = 2 + 4 * c4
        step(c + 0, 2)
        step(c + 1, 3)
        step(c + 2, 0)
        step(c + 3, 1)
        return 0

    lax.fori_loop(0, (NCHUNK - 6) // NBUF, group, 0)

    step(46, 2)
    step(47, 3)
    step(48, 0, pf_c2=False)
    step(49, 1, pf_c2=False, ga_c1=False)
    wb_wait(0)
    wb_wait(1)


def kernel(x, table):
    idx = x.reshape(TOTAL_ROWS).astype(jnp.int32)
    out = _sc_embed(table, idx, jnp.asarray(_PE_DIV_NP))
    return out.reshape(BATCH, SEQ, D_MODEL)

# --- scband reference (transcript-rebuilt; emitter-appended) ---
"""Pipeline reference for scband-input-embedding-3143916060748 (READ-ONLY COPY).

The authoritative reference and input builder live on the scoring server;
editing this copy changes nothing except your own understanding.
"""

import jax, jax.numpy as jnp
import numpy as np
import math

VOCAB = 100000
D_MODEL = 128
MAX_LEN = 5000
BATCH = 1024
SEQ = 200


def make_pe(max_len, d_model):
    position = np.arange(max_len, dtype=np.float32)[:, None]
    div_term = np.exp(np.arange(0, d_model, 2, dtype=np.float32) * (-math.log(10000.0) / d_model))
    pe = np.zeros((max_len, d_model), dtype=np.float32)
    pe[:, 0::2] = np.sin(position * div_term)
    pe[:, 1::2] = np.cos(position * div_term)
    return jnp.asarray(pe)


def setup_inputs(seed: int = 0) -> dict:
    key = jax.random.key(seed)
    k1, k2 = jax.random.split(key)
    table = jax.random.normal(k1, (VOCAB, D_MODEL), dtype=jnp.float32)
    # padding_idx=0 row initialized to zeros, as nn.Embedding does
    table = table.at[0].set(0.0)
    x = jax.random.randint(k2, (BATCH, SEQ), 0, VOCAB, dtype=jnp.int64)
    return {"x": x, "table": table}


def reference(x, table):
    # TokenEmbedding: gather + scale by sqrt(d_model)
    emb = jnp.take(table, x, axis=0) * math.sqrt(D_MODEL)
    # PositionalEncoding: add sinusoidal PE (dropout is identity in eval)
    seq_len = emb.shape[1]
    pe = make_pe(MAX_LEN, D_MODEL)
    out = emb + pe[None, :seq_len, :]
    return out

if __name__ == "__main__":
    import jax
    _d = setup_inputs()
    print(jax.jit(kernel)(*tuple(_d.values())))

</pallas_src>

<mosaic_0001>
#map = affine_map<(d0, d1) -> (0, 0)>
#map1 = affine_map<(d0, d1) -> (0)>
module attributes {stable_mosaic.version = 14 : i64} {
  func.func @_sc_embed(%arg0: i32, %arg1: i32, %arg2: memref<100000x128xf32, #tpu.memory_space<hbm>>, %arg3: memref<204800xi32, #tpu.memory_space<hbm>>, %arg4: memref<328x128xf32, #tpu.memory_space<hbm>>, %arg5: memref<204800x128xf32, #tpu.memory_space<hbm>>, %arg6: memref<6400xi32, #tpu.memory_space<vmem>>, %arg7: memref<128x128xf32, #tpu.memory_space<vmem>>, %arg8: memref<128x128xf32, #tpu.memory_space<vmem>>, %arg9: memref<128x128xf32, #tpu.memory_space<vmem>>, %arg10: memref<128x128xf32, #tpu.memory_space<vmem>>, %arg11: memref<328x128xf32, #tpu.memory_space<vmem_shared>>, %arg12: memref<4x!tpu.dma_semaphore, #tpu.memory_space<semaphore_mem>>, %arg13: memref<4x!tpu.dma_semaphore, #tpu.memory_space<semaphore_mem>>, %arg14: memref<4x!tpu.dma_semaphore, #tpu.memory_space<semaphore_mem>>) attributes {dimension_semantics = [#tpu.dimension_semantics<core_parallel>, #tpu.dimension_semantics<subcore_parallel>], iteration_bounds = array<i64: 2, 16>, scalar_prefetch = 0 : i64, scratch_operands = 9 : i64, tpu.core_type = #tpu.core_type<sc_vector_subcore>, window_params = [{transform_indices = #map}, {transform_indices = #map1}, {transform_indices = #map}, {transform_indices = #map}]} {
    %mul3A = arith.constant 2 : i32
    %mul3A_0 = arith.muli %arg1, %mul3A : i32
    %add3A = arith.addi %mul3A_0, %arg0 : i32
    %mul3A_1 = arith.constant 6400 : i32
    %mul3A_2 = arith.muli %add3A, %mul3A_1 : i32
    %eq3A = arith.constant 0 : i32
    %eq3A_3 = arith.cmpi eq, %arg1, %eq3A : i32
    %convert_element_type3A = arith.extui %eq3A_3 : i1 to i32
    %cond3A = arith.constant 0 : i32
    %cond3A_4 = arith.cmpi ne, %convert_element_type3A, %cond3A : i32
    scf.if %cond3A_4 {
      "tpu.region"() ({
        %run_scoped3A = tpu.sem_alloc : memref<!tpu.dma_semaphore, #tpu.memory_space<semaphore_mem>>
        tpu.enqueue_dma source(%arg4 : memref<328x128xf32, #tpu.memory_space<hbm>>) target(%arg11 : memref<328x128xf32, #tpu.memory_space<vmem_shared>>) target_semaphore(%run_scoped3A : memref<!tpu.dma_semaphore, #tpu.memory_space<semaphore_mem>>)
        tpu.wait_dma2 semaphore(%run_scoped3A : memref<!tpu.dma_semaphore, #tpu.memory_space<semaphore_mem>>) src(%arg4 : memref<328x128xf32, #tpu.memory_space<hbm>>) dst(%arg11 : memref<328x128xf32, #tpu.memory_space<vmem_shared>>)
        tpu.yield
      }) : () -> ()
    } else {
    }
    "tpu.region"() ({
      %run_scoped3A = tpu.sem_alloc : memref<!tpu.dma_semaphore, #tpu.memory_space<semaphore_mem>>
      %dma_start3A_201 = tpu.memref_slice %arg3[%mul3A_2] : memref<204800xi32, #tpu.memory_space<hbm>> -> memref<6400xi32, #tpu.memory_space<hbm>>
      %dma_start3A_202 = tpu.memref_slice %arg3[%mul3A_2] : memref<204800xi32, #tpu.memory_space<hbm>> -> memref<6400xi32, #tpu.memory_space<hbm>>
      tpu.enqueue_dma source(%dma_start3A_202 : memref<6400xi32, #tpu.memory_space<hbm>>) target(%arg6 : memref<6400xi32, #tpu.memory_space<vmem>>) target_semaphore(%run_scoped3A : memref<!tpu.dma_semaphore, #tpu.memory_space<semaphore_mem>>)
      %dma_wait3A_203 = tpu.memref_slice %arg3[%mul3A_2] : memref<204800xi32, #tpu.memory_space<hbm>> -> memref<6400xi32, #tpu.memory_space<hbm>>
      %dma_wait3A_204 = tpu.memref_slice %arg3[%mul3A_2] : memref<204800xi32, #tpu.memory_space<hbm>> -> memref<6400xi32, #tpu.memory_space<hbm>>
      tpu.wait_dma2 semaphore(%run_scoped3A : memref<!tpu.dma_semaphore, #tpu.memory_space<semaphore_mem>>) src(%dma_wait3A_204 : memref<6400xi32, #tpu.memory_space<hbm>>) dst(%arg6 : memref<6400xi32, #tpu.memory_space<vmem>>)
      tpu.yield
    }) : () -> ()
    %barrier3A = arith.constant 0 : index
    tpu.barrier barrier_id(%barrier3A)
    %dma_start3A = arith.constant 0 : i32
    %dma_start3A_5 = arith.constant 0 : i32
    %dma_start3A_6 = tpu.memref_slice %arg6[%dma_start3A_5] : memref<6400xi32, #tpu.memory_space<vmem>> -> memref<128xi32, #tpu.memory_space<vmem>>
    %dma_start3A_7 = arith.constant 0 : i32
    %dma_start3A_8 = arith.constant 0 : i32
    %dma_start3A_9 = tpu.memref_slice %arg2[%dma_start3A_7, %dma_start3A_8] : memref<100000x128xf32, #tpu.memory_space<hbm>> -> memref<100000x128xf32, #tpu.memory_space<hbm>>
    %dma_start3A_10 = tpu.memref_slice %arg13[%dma_start3A] : memref<4x!tpu.dma_semaphore, #tpu.memory_space<semaphore_mem>> -> memref<1x!tpu.dma_semaphore, #tpu.memory_space<semaphore_mem>>
    %dma_start3A_11 = tpu.memref_squeeze %dma_start3A_10 : memref<1x!tpu.dma_semaphore, #tpu.memory_space<semaphore_mem>> -> memref<!tpu.dma_semaphore, #tpu.memory_space<semaphore_mem>>
    tpu.enqueue_indirect_dma source(%dma_start3A_9 : memref<100000x128xf32, #tpu.memory_space<hbm>>) target(%arg7 : memref<128x128xf32, #tpu.memory_space<vmem>>) offsets(%dma_start3A_6 : memref<128xi32, #tpu.memory_space<vmem>>) semaphore(%dma_start3A_11 : memref<!tpu.dma_semaphore, #tpu.memory_space<semaphore_mem>>) {add = true}
    %dma_start3A_12 = arith.constant 1 : i32
    %dma_start3A_13 = arith.constant 128 : i32
    %dma_start3A_14 = tpu.memref_slice %arg6[%dma_start3A_13] : memref<6400xi32, #tpu.memory_space<vmem>> -> memref<128xi32, #tpu.memory_space<vmem>>
    %dma_start3A_15 = arith.constant 0 : i32
    %dma_start3A_16 = arith.constant 0 : i32
    %dma_start3A_17 = tpu.memref_slice %arg2[%dma_start3A_15, %dma_start3A_16] : memref<100000x128xf32, #tpu.memory_space<hbm>> -> memref<100000x128xf32, #tpu.memory_space<hbm>>
    %dma_start3A_18 = tpu.memref_slice %arg13[%dma_start3A_12] : memref<4x!tpu.dma_semaphore, #tpu.memory_space<semaphore_mem>> -> memref<1x!tpu.dma_semaphore, #tpu.memory_space<semaphore_mem>>
    %dma_start3A_19 = tpu.memref_squeeze %dma_start3A_18 : memref<1x!tpu.dma_semaphore, #tpu.memory_space<semaphore_mem>> -> memref<!tpu.dma_semaphore, #tpu.memory_space<semaphore_mem>>
    tpu.enqueue_indirect_dma source(%dma_start3A_17 : memref<100000x128xf32, #tpu.memory_space<hbm>>) target(%arg8 : memref<128x128xf32, #tpu.memory_space<vmem>>) offsets(%dma_start3A_14 : memref<128xi32, #tpu.memory_space<vmem>>) semaphore(%dma_start3A_19 : memref<!tpu.dma_semaphore, #tpu.memory_space<semaphore_mem>>) {add = true}
    %dma_wait3A = arith.constant 0 : i32
    %dma_wait3A_20 = arith.constant 0 : i32
    %dma_wait3A_21 = tpu.memref_slice %arg6[%dma_wait3A_20] : memref<6400xi32, #tpu.memory_space<vmem>> -> memref<128xi32, #tpu.memory_space<vmem>>
    %dma_wait3A_22 = arith.constant 0 : i32
    %dma_wait3A_23 = arith.constant 0 : i32
    %dma_wait3A_24 = tpu.memref_slice %arg2[%dma_wait3A_22, %dma_wait3A_23] : memref<100000x128xf32, #tpu.memory_space<hbm>> -> memref<100000x128xf32, #tpu.memory_space<hbm>>
    %dma_wait3A_25 = tpu.memref_slice %arg13[%dma_wait3A] : memref<4x!tpu.dma_semaphore, #tpu.memory_space<semaphore_mem>> -> memref<1x!tpu.dma_semaphore, #tpu.memory_space<semaphore_mem>>
    %dma_wait3A_26 = tpu.memref_squeeze %dma_wait3A_25 : memref<1x!tpu.dma_semaphore, #tpu.memory_space<semaphore_mem>> -> memref<!tpu.dma_semaphore, #tpu.memory_space<semaphore_mem>>
    tpu.wait_indirect_dma semaphore(%dma_wait3A_26 : memref<!tpu.dma_semaphore, #tpu.memory_space<semaphore_mem>>) src(%dma_wait3A_24 : memref<100000x128xf32, #tpu.memory_space<hbm>>) dst(%arg7 : memref<128x128xf32, #tpu.memory_space<vmem>>)
    %add3A_27 = arith.constant 0 : i32
    %add3A_28 = arith.addi %mul3A_2, %add3A_27 : i32
    %dma_start3A_29 = arith.constant 0 : i32
    %dma_start3A_30 = arith.constant 0 : i32
    %dma_start3A_31 = tpu.memref_slice %arg5[%add3A_28, %dma_start3A_30] : memref<204800x128xf32, #tpu.memory_space<hbm>> -> memref<128x128xf32, #tpu.memory_space<hbm>>
    %dma_start3A_32 = tpu.memref_slice %arg14[%dma_start3A_29] : memref<4x!tpu.dma_semaphore, #tpu.memory_space<semaphore_mem>> -> memref<1x!tpu.dma_semaphore, #tpu.memory_space<semaphore_mem>>
    %dma_start3A_33 = tpu.memref_squeeze %dma_start3A_32 : memref<1x!tpu.dma_semaphore, #tpu.memory_space<semaphore_mem>> -> memref<!tpu.dma_semaphore, #tpu.memory_space<semaphore_mem>>
    %dma_start3A_34 = arith.constant 0 : i32
    %dma_start3A_35 = tpu.memref_slice %arg5[%add3A_28, %dma_start3A_34] : memref<204800x128xf32, #tpu.memory_space<hbm>> -> memref<128x128xf32, #tpu.memory_space<hbm>>
    tpu.enqueue_dma source(%arg7 : memref<128x128xf32, #tpu.memory_space<vmem>>) target(%dma_start3A_35 : memref<128x128xf32, #tpu.memory_space<hbm>>) target_semaphore(%dma_start3A_33 : memref<!tpu.dma_semaphore, #tpu.memory_space<semaphore_mem>>)
    %dma_start3A_36 = arith.constant 2 : i32
    %dma_start3A_37 = arith.constant 256 : i32
    %dma_start3A_38 = tpu.memref_slice %arg6[%dma_start3A_37] : memref<6400xi32, #tpu.memory_space<vmem>> -> memref<128xi32, #tpu.memory_space<vmem>>
    %dma_start3A_39 = arith.constant 0 : i32
    %dma_start3A_40 = arith.constant 0 : i32
    %dma_start3A_41 = tpu.memref_slice %arg2[%dma_start3A_39, %dma_start3A_40] : memref<100000x128xf32, #tpu.memory_space<hbm>> -> memref<100000x128xf32, #tpu.memory_space<hbm>>
    %dma_start3A_42 = tpu.memref_slice %arg13[%dma_start3A_36] : memref<4x!tpu.dma_semaphore, #tpu.memory_space<semaphore_mem>> -> memref<1x!tpu.dma_semaphore, #tpu.memory_space<semaphore_mem>>
    %dma_start3A_43 = tpu.memref_squeeze %dma_start3A_42 : memref<1x!tpu.dma_semaphore, #tpu.memory_space<semaphore_mem>> -> memref<!tpu.dma_semaphore, #tpu.memory_space<semaphore_mem>>
    tpu.enqueue_indirect_dma source(%dma_start3A_41 : memref<100000x128xf32, #tpu.memory_space<hbm>>) target(%arg9 : memref<128x128xf32, #tpu.memory_space<vmem>>) offsets(%dma_start3A_38 : memref<128xi32, #tpu.memory_space<vmem>>) semaphore(%dma_start3A_43 : memref<!tpu.dma_semaphore, #tpu.memory_space<semaphore_mem>>) {add = true}
    %dma_wait3A_44 = arith.constant 1 : i32
    %dma_wait3A_45 = arith.constant 0 : i32
    %dma_wait3A_46 = tpu.memref_slice %arg6[%dma_wait3A_45] : memref<6400xi32, #tpu.memory_space<vmem>> -> memref<128xi32, #tpu.memory_space<vmem>>
    %dma_wait3A_47 = arith.constant 0 : i32
    %dma_wait3A_48 = arith.constant 0 : i32
    %dma_wait3A_49 = tpu.memref_slice %arg2[%dma_wait3A_47, %dma_wait3A_48] : memref<100000x128xf32, #tpu.memory_space<hbm>> -> memref<100000x128xf32, #tpu.memory_space<hbm>>
    %dma_wait3A_50 = tpu.memref_slice %arg13[%dma_wait3A_44] : memref<4x!tpu.dma_semaphore, #tpu.memory_space<semaphore_mem>> -> memref<1x!tpu.dma_semaphore, #tpu.memory_space<semaphore_mem>>
    %dma_wait3A_51 = tpu.memref_squeeze %dma_wait3A_50 : memref<1x!tpu.dma_semaphore, #tpu.memory_space<semaphore_mem>> -> memref<!tpu.dma_semaphore, #tpu.memory_space<semaphore_mem>>
    tpu.wait_indirect_dma semaphore(%dma_wait3A_51 : memref<!tpu.dma_semaphore, #tpu.memory_space<semaphore_mem>>) src(%dma_wait3A_49 : memref<100000x128xf32, #tpu.memory_space<hbm>>) dst(%arg8 : memref<128x128xf32, #tpu.memory_space<vmem>>)
    %add3A_52 = arith.constant 128 : i32
    %add3A_53 = arith.addi %mul3A_2, %add3A_52 : i32
    %dma_start3A_54 = arith.constant 1 : i32
    %dma_start3A_55 = arith.constant 0 : i32
    %dma_start3A_56 = tpu.memref_slice %arg5[%add3A_53, %dma_start3A_55] : memref<204800x128xf32, #tpu.memory_space<hbm>> -> memref<128x128xf32, #tpu.memory_space<hbm>>
    %dma_start3A_57 = tpu.memref_slice %arg14[%dma_start3A_54] : memref<4x!tpu.dma_semaphore, #tpu.memory_space<semaphore_mem>> -> memref<1x!tpu.dma_semaphore, #tpu.memory_space<semaphore_mem>>
    %dma_start3A_58 = tpu.memref_squeeze %dma_start3A_57 : memref<1x!tpu.dma_semaphore, #tpu.memory_space<semaphore_mem>> -> memref<!tpu.dma_semaphore, #tpu.memory_space<semaphore_mem>>
    %dma_start3A_59 = arith.constant 0 : i32
    %dma_start3A_60 = tpu.memref_slice %arg5[%add3A_53, %dma_start3A_59] : memref<204800x128xf32, #tpu.memory_space<hbm>> -> memref<128x128xf32, #tpu.memory_space<hbm>>
    tpu.enqueue_dma source(%arg8 : memref<128x128xf32, #tpu.memory_space<vmem>>) target(%dma_start3A_60 : memref<128x128xf32, #tpu.memory_space<hbm>>) target_semaphore(%dma_start3A_58 : memref<!tpu.dma_semaphore, #tpu.memory_space<semaphore_mem>>)
    %scan3A = arith.constant 0 : i32
    %scan3A_61 = arith.constant 0 : i32
    %scan3A_62 = arith.constant 11 : i32
    %scan3A_63 = arith.addi %scan3A_61, %scan3A_62 : i32
    %scan3A_64 = arith.constant 1 : i32
    %scan3A_65 = scf.for %scan3A_201 = %scan3A_61 to %scan3A_63 step %scan3A_64 iter_args(%scan3A_202 = %scan3A) -> (i32)  : i32 {
      %mul3A_203 = arith.constant 4 : i32
      %mul3A_204 = arith.muli %mul3A_203, %scan3A_201 : i32
      %add3A_205 = arith.constant 2 : i32
      %add3A_206 = arith.addi %add3A_205, %mul3A_204 : i32
      %add3A_207 = arith.constant 0 : i32
      %add3A_208 = arith.addi %add3A_206, %add3A_207 : i32
      %dma_wait3A_209 = arith.constant 0 : i32
      %dma_wait3A_210 = arith.constant 0 : i32
      %dma_wait3A_211 = tpu.memref_slice %arg5[%mul3A_2, %dma_wait3A_210] : memref<204800x128xf32, #tpu.memory_space<hbm>> -> memref<128x128xf32, #tpu.memory_space<hbm>>
      %dma_wait3A_212 = tpu.memref_slice %arg14[%dma_wait3A_209] : memref<4x!tpu.dma_semaphore, #tpu.memory_space<semaphore_mem>> -> memref<1x!tpu.dma_semaphore, #tpu.memory_space<semaphore_mem>>
      %dma_wait3A_213 = tpu.memref_squeeze %dma_wait3A_212 : memref<1x!tpu.dma_semaphore, #tpu.memory_space<semaphore_mem>> -> memref<!tpu.dma_semaphore, #tpu.memory_space<semaphore_mem>>
      %dma_wait3A_214 = arith.constant 0 : i32
      %dma_wait3A_215 = tpu.memref_slice %arg5[%mul3A_2, %dma_wait3A_214] : memref<204800x128xf32, #tpu.memory_space<hbm>> -> memref<128x128xf32, #tpu.memory_space<hbm>>
      tpu.wait_dma2 semaphore(%dma_wait3A_213 : memref<!tpu.dma_semaphore, #tpu.memory_space<semaphore_mem>>) src(%arg7 : memref<128x128xf32, #tpu.memory_space<vmem>>) dst(%dma_wait3A_215 : memref<128x128xf32, #tpu.memory_space<hbm>>)
      %add3A_216 = arith.constant 2 : i32
      %add3A_217 = arith.addi %add3A_208, %add3A_216 : i32
      %add3A_218 = arith.constant 1 : i32
      %add3A_219 = arith.addi %add3A_208, %add3A_218 : i32
      %mul3A_220 = arith.constant 128 : i32
      %mul3A_221 = arith.muli %add3A_219, %mul3A_220 : i32
      %dma_start3A_222 = arith.constant 3 : i32
      %dma_start3A_223 = tpu.memref_slice %arg6[%mul3A_221] : memref<6400xi32, #tpu.memory_space<vmem>> -> memref<128xi32, #tpu.memory_space<vmem>>
      %dma_start3A_224 = arith.constant 0 : i32
      %dma_start3A_225 = arith.constant 0 : i32
      %dma_start3A_226 = tpu.memref_slice %arg2[%dma_start3A_224, %dma_start3A_225] : memref<100000x128xf32, #tpu.memory_space<hbm>> -> memref<100000x128xf32, #tpu.memory_space<hbm>>
      %dma_start3A_227 = tpu.memref_slice %arg13[%dma_start3A_222] : memref<4x!tpu.dma_semaphore, #tpu.memory_space<semaphore_mem>> -> memref<1x!tpu.dma_semaphore, #tpu.memory_space<semaphore_mem>>
      %dma_start3A_228 = tpu.memref_squeeze %dma_start3A_227 : memref<1x!tpu.dma_semaphore, #tpu.memory_space<semaphore_mem>> -> memref<!tpu.dma_semaphore, #tpu.memory_space<semaphore_mem>>
      tpu.enqueue_indirect_dma source(%dma_start3A_226 : memref<100000x128xf32, #tpu.memory_space<hbm>>) target(%arg10 : memref<128x128xf32, #tpu.memory_space<vmem>>) offsets(%dma_start3A_223 : memref<128xi32, #tpu.memory_space<vmem>>) semaphore(%dma_start3A_228 : memref<!tpu.dma_semaphore, #tpu.memory_space<semaphore_mem>>) {add = true}
      %dma_wait3A_229 = arith.constant 2 : i32
      %dma_wait3A_230 = arith.constant 0 : i32
      %dma_wait3A_231 = tpu.memref_slice %arg6[%dma_wait3A_230] : memref<6400xi32, #tpu.memory_space<vmem>> -> memref<128xi32, #tpu.memory_space<vmem>>
      %dma_wait3A_232 = arith.constant 0 : i32
      %dma_wait3A_233 = arith.constant 0 : i32
      %dma_wait3A_234 = tpu.memref_slice %arg2[%dma_wait3A_232, %dma_wait3A_233] : memref<100000x128xf32, #tpu.memory_space<hbm>> -> memref<100000x128xf32, #tpu.memory_space<hbm>>
      %dma_wait3A_235 = tpu.memref_slice %arg13[%dma_wait3A_229] : memref<4x!tpu.dma_semaphore, #tpu.memory_space<semaphore_mem>> -> memref<1x!tpu.dma_semaphore, #tpu.memory_space<semaphore_mem>>
      %dma_wait3A_236 = tpu.memref_squeeze %dma_wait3A_235 : memref<1x!tpu.dma_semaphore, #tpu.memory_space<semaphore_mem>> -> memref<!tpu.dma_semaphore, #tpu.memory_space<semaphore_mem>>
      tpu.wait_indirect_dma semaphore(%dma_wait3A_236 : memref<!tpu.dma_semaphore, #tpu.memory_space<semaphore_mem>>) src(%dma_wait3A_234 : memref<100000x128xf32, #tpu.memory_space<hbm>>) dst(%arg9 : memref<128x128xf32, #tpu.memory_space<vmem>>)
      %mul3A_237 = arith.constant 128 : i32
      %mul3A_238 = arith.muli %add3A_208, %mul3A_237 : i32
      %add3A_239 = arith.addi %mul3A_2, %mul3A_238 : i32
      %dma_start3A_240 = arith.constant 2 : i32
      %dma_start3A_241 = arith.constant 0 : i32
      %dma_start3A_242 = tpu.memref_slice %arg5[%add3A_239, %dma_start3A_241] : memref<204800x128xf32, #tpu.memory_space<hbm>> -> memref<128x128xf32, #tpu.memory_space<hbm>>
      %dma_start3A_243 = tpu.memref_slice %arg14[%dma_start3A_240] : memref<4x!tpu.dma_semaphore, #tpu.memory_space<semaphore_mem>> -> memref<1x!tpu.dma_semaphore, #tpu.memory_space<semaphore_mem>>
      %dma_start3A_244 = tpu.memref_squeeze %dma_start3A_243 : memref<1x!tpu.dma_semaphore, #tpu.memory_space<semaphore_mem>> -> memref<!tpu.dma_semaphore, #tpu.memory_space<semaphore_mem>>
      %dma_start3A_245 = arith.constant 0 : i32
      %dma_start3A_246 = tpu.memref_slice %arg5[%add3A_239, %dma_start3A_245] : memref<204800x128xf32, #tpu.memory_space<hbm>> -> memref<128x128xf32, #tpu.memory_space<hbm>>
      tpu.enqueue_dma source(%arg9 : memref<128x128xf32, #tpu.memory_space<vmem>>) target(%dma_start3A_246 : memref<128x128xf32, #tpu.memory_space<hbm>>) target_semaphore(%dma_start3A_244 : memref<!tpu.dma_semaphore, #tpu.memory_space<semaphore_mem>>)
      %add3A_247 = arith.constant 1 : i32
      %add3A_248 = arith.addi %add3A_206, %add3A_247 : i32
      %dma_wait3A_249 = arith.constant 1 : i32
      %dma_wait3A_250 = arith.constant 0 : i32
      %dma_wait3A_251 = tpu.memref_slice %arg5[%mul3A_2, %dma_wait3A_250] : memref<204800x128xf32, #tpu.memory_space<hbm>> -> memref<128x128xf32, #tpu.memory_space<hbm>>
      %dma_wait3A_252 = tpu.memref_slice %arg14[%dma_wait3A_249] : memref<4x!tpu.dma_semaphore, #tpu.memory_space<semaphore_mem>> -> memref<1x!tpu.dma_semaphore, #tpu.memory_space<semaphore_mem>>
      %dma_wait3A_253 = tpu.memref_squeeze %dma_wait3A_252 : memref<1x!tpu.dma_semaphore, #tpu.memory_space<semaphore_mem>> -> memref<!tpu.dma_semaphore, #tpu.memory_space<semaphore_mem>>
      %dma_wait3A_254 = arith.constant 0 : i32
      %dma_wait3A_255 = tpu.memref_slice %arg5[%mul3A_2, %dma_wait3A_254] : memref<204800x128xf32, #tpu.memory_space<hbm>> -> memref<128x128xf32, #tpu.memory_space<hbm>>
      tpu.wait_dma2 semaphore(%dma_wait3A_253 : memref<!tpu.dma_semaphore, #tpu.memory_space<semaphore_mem>>) src(%arg8 : memref<128x128xf32, #tpu.memory_space<vmem>>) dst(%dma_wait3A_255 : memref<128x128xf32, #tpu.memory_space<hbm>>)
      %add3A_256 = arith.constant 2 : i32
      %add3A_257 = arith.addi %add3A_248, %add3A_256 : i32
      %add3A_258 = arith.constant 1 : i32
      %add3A_259 = arith.addi %add3A_248, %add3A_258 : i32
      %mul3A_260 = arith.constant 128 : i32
      %mul3A_261 = arith.muli %add3A_259, %mul3A_260 : i32
      %dma_start3A_262 = arith.constant 0 : i32
      %dma_start3A_263 = tpu.memref_slice %arg6[%mul3A_261] : memref<6400xi32, #tpu.memory_space<vmem>> -> memref<128xi32, #tpu.memory_space<vmem>>
      %dma_start3A_264 = arith.constant 0 : i32
      %dma_start3A_265 = arith.constant 0 : i32
      %dma_start3A_266 = tpu.memref_slice %arg2[%dma_start3A_264, %dma_start3A_265] : memref<100000x128xf32, #tpu.memory_space<hbm>> -> memref<100000x128xf32, #tpu.memory_space<hbm>>
      %dma_start3A_267 = tpu.memref_slice %arg13[%dma_start3A_262] : memref<4x!tpu.dma_semaphore, #tpu.memory_space<semaphore_mem>> -> memref<1x!tpu.dma_semaphore, #tpu.memory_space<semaphore_mem>>
      %dma_start3A_268 = tpu.memref_squeeze %dma_start3A_267 : memref<1x!tpu.dma_semaphore, #tpu.memory_space<semaphore_mem>> -> memref<!tpu.dma_semaphore, #tpu.memory_space<semaphore_mem>>
      tpu.enqueue_indirect_dma source(%dma_start3A_266 : memref<100000x128xf32, #tpu.memory_space<hbm>>) target(%arg7 : memref<128x128xf32, #tpu.memory_space<vmem>>) offsets(%dma_start3A_263 : memref<128xi32, #tpu.memory_space<vmem>>) semaphore(%dma_start3A_268 : memref<!tpu.dma_semaphore, #tpu.memory_space<semaphore_mem>>) {add = true}
      %dma_wait3A_269 = arith.constant 3 : i32
      %dma_wait3A_270 = arith.constant 0 : i32
      %dma_wait3A_271 = tpu.memref_slice %arg6[%dma_wait3A_270] : memref<6400xi32, #tpu.memory_space<vmem>> -> memref<128xi32, #tpu.memory_space<vmem>>
      %dma_wait3A_272 = arith.constant 0 : i32
      %dma_wait3A_273 = arith.constant 0 : i32
      %dma_wait3A_274 = tpu.memref_slice %arg2[%dma_wait3A_272, %dma_wait3A_273] : memref<100000x128xf32, #tpu.memory_space<hbm>> -> memref<100000x128xf32, #tpu.memory_space<hbm>>
      %dma_wait3A_275 = tpu.memref_slice %arg13[%dma_wait3A_269] : memref<4x!tpu.dma_semaphore, #tpu.memory_space<semaphore_mem>> -> memref<1x!tpu.dma_semaphore, #tpu.memory_space<semaphore_mem>>
      %dma_wait3A_276 = tpu.memref_squeeze %dma_wait3A_275 : memref<1x!tpu.dma_semaphore, #tpu.memory_space<semaphore_mem>> -> memref<!tpu.dma_semaphore, #tpu.memory_space<semaphore_mem>>
      tpu.wait_indirect_dma semaphore(%dma_wait3A_276 : memref<!tpu.dma_semaphore, #tpu.memory_space<semaphore_mem>>) src(%dma_wait3A_274 : memref<100000x128xf32, #tpu.memory_space<hbm>>) dst(%arg10 : memref<128x128xf32, #tpu.memory_space<vmem>>)
      %mul3A_277 = arith.constant 128 : i32
      %mul3A_278 = arith.muli %add3A_248, %mul3A_277 : i32
      %add3A_279 = arith.addi %mul3A_2, %mul3A_278 : i32
      %dma_start3A_280 = arith.constant 3 : i32
      %dma_start3A_281 = arith.constant 0 : i32
      %dma_start3A_282 = tpu.memref_slice %arg5[%add3A_279, %dma_start3A_281] : memref<204800x128xf32, #tpu.memory_space<hbm>> -> memref<128x128xf32, #tpu.memory_space<hbm>>
      %dma_start3A_283 = tpu.memref_slice %arg14[%dma_start3A_280] : memref<4x!tpu.dma_semaphore, #tpu.memory_space<semaphore_mem>> -> memref<1x!tpu.dma_semaphore, #tpu.memory_space<semaphore_mem>>
      %dma_start3A_284 = tpu.memref_squeeze %dma_start3A_283 : memref<1x!tpu.dma_semaphore, #tpu.memory_space<semaphore_mem>> -> memref<!tpu.dma_semaphore, #tpu.memory_space<semaphore_mem>>
      %dma_start3A_285 = arith.constant 0 : i32
      %dma_start3A_286 = tpu.memref_slice %arg5[%add3A_279, %dma_start3A_285] : memref<204800x128xf32, #tpu.memory_space<hbm>> -> memref<128x128xf32, #tpu.memory_space<hbm>>
      tpu.enqueue_dma source(%arg10 : memref<128x128xf32, #tpu.memory_space<vmem>>) target(%dma_start3A_286 : memref<128x128xf32, #tpu.memory_space<hbm>>) target_semaphore(%dma_start3A_284 : memref<!tpu.dma_semaphore, #tpu.memory_space<semaphore_mem>>)
      %add3A_287 = arith.constant 2 : i32
      %add3A_288 = arith.addi %add3A_206, %add3A_287 : i32
      %dma_wait3A_289 = arith.constant 2 : i32
      %dma_wait3A_290 = arith.constant 0 : i32
      %dma_wait3A_291 = tpu.memref_slice %arg5[%mul3A_2, %dma_wait3A_290] : memref<204800x128xf32, #tpu.memory_space<hbm>> -> memref<128x128xf32, #tpu.memory_space<hbm>>
      %dma_wait3A_292 = tpu.memref_slice %arg14[%dma_wait3A_289] : memref<4x!tpu.dma_semaphore, #tpu.memory_space<semaphore_mem>> -> memref<1x!tpu.dma_semaphore, #tpu.memory_space<semaphore_mem>>
      %dma_wait3A_293 = tpu.memref_squeeze %dma_wait3A_292 : memref<1x!tpu.dma_semaphore, #tpu.memory_space<semaphore_mem>> -> memref<!tpu.dma_semaphore, #tpu.memory_space<semaphore_mem>>
      %dma_wait3A_294 = arith.constant 0 : i32
      %dma_wait3A_295 = tpu.memref_slice %arg5[%mul3A_2, %dma_wait3A_294] : memref<204800x128xf32, #tpu.memory_space<hbm>> -> memref<128x128xf32, #tpu.memory_space<hbm>>
      tpu.wait_dma2 semaphore(%dma_wait3A_293 : memref<!tpu.dma_semaphore, #tpu.memory_space<semaphore_mem>>) src(%arg9 : memref<128x128xf32, #tpu.memory_space<vmem>>) dst(%dma_wait3A_295 : memref<128x128xf32, #tpu.memory_space<hbm>>)
      %add3A_296 = arith.constant 2 : i32
      %add3A_297 = arith.addi %add3A_288, %add3A_296 : i32
      %add3A_298 = arith.constant 1 : i32
      %add3A_299 = arith.addi %add3A_288, %add3A_298 : i32
      %mul3A_300 = arith.constant 128 : i32
      %mul3A_301 = arith.muli %add3A_299, %mul3A_300 : i32
      %dma_start3A_302 = arith.constant 1 : i32
      %dma_start3A_303 = tpu.memref_slice %arg6[%mul3A_301] : memref<6400xi32, #tpu.memory_space<vmem>> -> memref<128xi32, #tpu.memory_space<vmem>>
      %dma_start3A_304 = arith.constant 0 : i32
      %dma_start3A_305 = arith.constant 0 : i32
      %dma_start3A_306 = tpu.memref_slice %arg2[%dma_start3A_304, %dma_start3A_305] : memref<100000x128xf32, #tpu.memory_space<hbm>> -> memref<100000x128xf32, #tpu.memory_space<hbm>>
      %dma_start3A_307 = tpu.memref_slice %arg13[%dma_start3A_302] : memref<4x!tpu.dma_semaphore, #tpu.memory_space<semaphore_mem>> -> memref<1x!tpu.dma_semaphore, #tpu.memory_space<semaphore_mem>>
      %dma_start3A_308 = tpu.memref_squeeze %dma_start3A_307 : memref<1x!tpu.dma_semaphore, #tpu.memory_space<semaphore_mem>> -> memref<!tpu.dma_semaphore, #tpu.memory_space<semaphore_mem>>
      tpu.enqueue_indirect_dma source(%dma_start3A_306 : memref<100000x128xf32, #tpu.memory_space<hbm>>) target(%arg8 : memref<128x128xf32, #tpu.memory_space<vmem>>) offsets(%dma_start3A_303 : memref<128xi32, #tpu.memory_space<vmem>>) semaphore(%dma_start3A_308 : memref<!tpu.dma_semaphore, #tpu.memory_space<semaphore_mem>>) {add = true}
      %dma_wait3A_309 = arith.constant 0 : i32
      %dma_wait3A_310 = arith.constant 0 : i32
      %dma_wait3A_311 = tpu.memref_slice %arg6[%dma_wait3A_310] : memref<6400xi32, #tpu.memory_space<vmem>> -> memref<128xi32, #tpu.memory_space<vmem>>
      %dma_wait3A_312 = arith.constant 0 : i32
      %dma_wait3A_313 = arith.constant 0 : i32
      %dma_wait3A_314 = tpu.memref_slice %arg2[%dma_wait3A_312, %dma_wait3A_313] : memref<100000x128xf32, #tpu.memory_space<hbm>> -> memref<100000x128xf32, #tpu.memory_space<hbm>>
      %dma_wait3A_315 = tpu.memref_slice %arg13[%dma_wait3A_309] : memref<4x!tpu.dma_semaphore, #tpu.memory_space<semaphore_mem>> -> memref<1x!tpu.dma_semaphore, #tpu.memory_space<semaphore_mem>>
      %dma_wait3A_316 = tpu.memref_squeeze %dma_wait3A_315 : memref<1x!tpu.dma_semaphore, #tpu.memory_space<semaphore_mem>> -> memref<!tpu.dma_semaphore, #tpu.memory_space<semaphore_mem>>
      tpu.wait_indirect_dma semaphore(%dma_wait3A_316 : memref<!tpu.dma_semaphore, #tpu.memory_space<semaphore_mem>>) src(%dma_wait3A_314 : memref<100000x128xf32, #tpu.memory_space<hbm>>) dst(%arg7 : memref<128x128xf32, #tpu.memory_space<vmem>>)
      %mul3A_317 = arith.constant 128 : i32
      %mul3A_318 = arith.muli %add3A_288, %mul3A_317 : i32
      %add3A_319 = arith.addi %mul3A_2, %mul3A_318 : i32
      %dma_start3A_320 = arith.constant 0 : i32
      %dma_start3A_321 = arith.constant 0 : i32
      %dma_start3A_322 = tpu.memref_slice %arg5[%add3A_319, %dma_start3A_321] : memref<204800x128xf32, #tpu.memory_space<hbm>> -> memref<128x128xf32, #tpu.memory_space<hbm>>
      %dma_start3A_323 = tpu.memref_slice %arg14[%dma_start3A_320] : memref<4x!tpu.dma_semaphore, #tpu.memory_space<semaphore_mem>> -> memref<1x!tpu.dma_semaphore, #tpu.memory_space<semaphore_mem>>
      %dma_start3A_324 = tpu.memref_squeeze %dma_start3A_323 : memref<1x!tpu.dma_semaphore, #tpu.memory_space<semaphore_mem>> -> memref<!tpu.dma_semaphore, #tpu.memory_space<semaphore_mem>>
      %dma_start3A_325 = arith.constant 0 : i32
      %dma_start3A_326 = tpu.memref_slice %arg5[%add3A_319, %dma_start3A_325] : memref<204800x128xf32, #tpu.memory_space<hbm>> -> memref<128x128xf32, #tpu.memory_space<hbm>>
      tpu.enqueue_dma source(%arg7 : memref<128x128xf32, #tpu.memory_space<vmem>>) target(%dma_start3A_326 : memref<128x128xf32, #tpu.memory_space<hbm>>) target_semaphore(%dma_start3A_324 : memref<!tpu.dma_semaphore, #tpu.memory_space<semaphore_mem>>)
      %add3A_327 = arith.constant 3 : i32
      %add3A_328 = arith.addi %add3A_206, %add3A_327 : i32
      %dma_wait3A_329 = arith.constant 3 : i32
      %dma_wait3A_330 = arith.constant 0 : i32
      %dma_wait3A_331 = tpu.memref_slice %arg5[%mul3A_2, %dma_wait3A_330] : memref<204800x128xf32, #tpu.memory_space<hbm>> -> memref<128x128xf32, #tpu.memory_space<hbm>>
      %dma_wait3A_332 = tpu.memref_slice %arg14[%dma_wait3A_329] : memref<4x!tpu.dma_semaphore, #tpu.memory_space<semaphore_mem>> -> memref<1x!tpu.dma_semaphore, #tpu.memory_space<semaphore_mem>>
      %dma_wait3A_333 = tpu.memref_squeeze %dma_wait3A_332 : memref<1x!tpu.dma_semaphore, #tpu.memory_space<semaphore_mem>> -> memref<!tpu.dma_semaphore, #tpu.memory_space<semaphore_mem>>
      %dma_wait3A_334 = arith.constant 0 : i32
      %dma_wait3A_335 = tpu.memref_slice %arg5[%mul3A_2, %dma_wait3A_334] : memref<204800x128xf32, #tpu.memory_space<hbm>> -> memref<128x128xf32, #tpu.memory_space<hbm>>
      tpu.wait_dma2 semaphore(%dma_wait3A_333 : memref<!tpu.dma_semaphore, #tpu.memory_space<semaphore_mem>>) src(%arg10 : memref<128x128xf32, #tpu.memory_space<vmem>>) dst(%dma_wait3A_335 : memref<128x128xf32, #tpu.memory_space<hbm>>)
      %add3A_336 = arith.constant 2 : i32
      %add3A_337 = arith.addi %add3A_328, %add3A_336 : i32
      %add3A_338 = arith.constant 1 : i32
      %add3A_339 = arith.addi %add3A_328, %add3A_338 : i32
      %mul3A_340 = arith.constant 128 : i32
      %mul3A_341 = arith.muli %add3A_339, %mul3A_340 : i32
      %dma_start3A_342 = arith.constant 2 : i32
      %dma_start3A_343 = tpu.memref_slice %arg6[%mul3A_341] : memref<6400xi32, #tpu.memory_space<vmem>> -> memref<128xi32, #tpu.memory_space<vmem>>
      %dma_start3A_344 = arith.constant 0 : i32
      %dma_start3A_345 = arith.constant 0 : i32
      %dma_start3A_346 = tpu.memref_slice %arg2[%dma_start3A_344, %dma_start3A_345] : memref<100000x128xf32, #tpu.memory_space<hbm>> -> memref<100000x128xf32, #tpu.memory_space<hbm>>
      %dma_start3A_347 = tpu.memref_slice %arg13[%dma_start3A_342] : memref<4x!tpu.dma_semaphore, #tpu.memory_space<semaphore_mem>> -> memref<1x!tpu.dma_semaphore, #tpu.memory_space<semaphore_mem>>
      %dma_start3A_348 = tpu.memref_squeeze %dma_start3A_347 : memref<1x!tpu.dma_semaphore, #tpu.memory_space<semaphore_mem>> -> memref<!tpu.dma_semaphore, #tpu.memory_space<semaphore_mem>>
      tpu.enqueue_indirect_dma source(%dma_start3A_346 : memref<100000x128xf32, #tpu.memory_space<hbm>>) target(%arg9 : memref<128x128xf32, #tpu.memory_space<vmem>>) offsets(%dma_start3A_343 : memref<128xi32, #tpu.memory_space<vmem>>) semaphore(%dma_start3A_348 : memref<!tpu.dma_semaphore, #tpu.memory_space<semaphore_mem>>) {add = true}
      %dma_wait3A_349 = arith.constant 1 : i32
      %dma_wait3A_350 = arith.constant 0 : i32
      %dma_wait3A_351 = tpu.memref_slice %arg6[%dma_wait3A_350] : memref<6400xi32, #tpu.memory_space<vmem>> -> memref<128xi32, #tpu.memory_space<vmem>>
      %dma_wait3A_352 = arith.constant 0 : i32
      %dma_wait3A_353 = arith.constant 0 : i32
      %dma_wait3A_354 = tpu.memref_slice %arg2[%dma_wait3A_352, %dma_wait3A_353] : memref<100000x128xf32, #tpu.memory_space<hbm>> -> memref<100000x128xf32, #tpu.memory_space<hbm>>
      %dma_wait3A_355 = tpu.memref_slice %arg13[%dma_wait3A_349] : memref<4x!tpu.dma_semaphore, #tpu.memory_space<semaphore_mem>> -> memref<1x!tpu.dma_semaphore, #tpu.memory_space<semaphore_mem>>
      %dma_wait3A_356 = tpu.memref_squeeze %dma_wait3A_355 : memref<1x!tpu.dma_semaphore, #tpu.memory_space<semaphore_mem>> -> memref<!tpu.dma_semaphore, #tpu.memory_space<semaphore_mem>>
      tpu.wait_indirect_dma semaphore(%dma_wait3A_356 : memref<!tpu.dma_semaphore, #tpu.memory_space<semaphore_mem>>) src(%dma_wait3A_354 : memref<100000x128xf32, #tpu.memory_space<hbm>>) dst(%arg8 : memref<128x128xf32, #tpu.memory_space<vmem>>)
      %mul3A_357 = arith.constant 128 : i32
      %mul3A_358 = arith.muli %add3A_328, %mul3A_357 : i32
      %add3A_359 = arith.addi %mul3A_2, %mul3A_358 : i32
      %dma_start3A_360 = arith.constant 1 : i32
      %dma_start3A_361 = arith.constant 0 : i32
      %dma_start3A_362 = tpu.memref_slice %arg5[%add3A_359, %dma_start3A_361] : memref<204800x128xf32, #tpu.memory_space<hbm>> -> memref<128x128xf32, #tpu.memory_space<hbm>>
      %dma_start3A_363 = tpu.memref_slice %arg14[%dma_start3A_360] : memref<4x!tpu.dma_semaphore, #tpu.memory_space<semaphore_mem>> -> memref<1x!tpu.dma_semaphore, #tpu.memory_space<semaphore_mem>>
      %dma_start3A_364 = tpu.memref_squeeze %dma_start3A_363 : memref<1x!tpu.dma_semaphore, #tpu.memory_space<semaphore_mem>> -> memref<!tpu.dma_semaphore, #tpu.memory_space<semaphore_mem>>
      %dma_start3A_365 = arith.constant 0 : i32
      %dma_start3A_366 = tpu.memref_slice %arg5[%add3A_359, %dma_start3A_365] : memref<204800x128xf32, #tpu.memory_space<hbm>> -> memref<128x128xf32, #tpu.memory_space<hbm>>
      tpu.enqueue_dma source(%arg8 : memref<128x128xf32, #tpu.memory_space<vmem>>) target(%dma_start3A_366 : memref<128x128xf32, #tpu.memory_space<hbm>>) target_semaphore(%dma_start3A_364 : memref<!tpu.dma_semaphore, #tpu.memory_space<semaphore_mem>>)
      %scan3A_367 = arith.constant 0 : i32
      scf.yield %scan3A_367 : i32
    }
    %scan3A_66 = arith.constant 11 : i32
    %dma_wait3A_67 = arith.constant 0 : i32
    %dma_wait3A_68 = arith.constant 0 : i32
    %dma_wait3A_69 = tpu.memref_slice %arg5[%mul3A_2, %dma_wait3A_68] : memref<204800x128xf32, #tpu.memory_space<hbm>> -> memref<128x128xf32, #tpu.memory_space<hbm>>
    %dma_wait3A_70 = tpu.memref_slice %arg14[%dma_wait3A_67] : memref<4x!tpu.dma_semaphore, #tpu.memory_space<semaphore_mem>> -> memref<1x!tpu.dma_semaphore, #tpu.memory_space<semaphore_mem>>
    %dma_wait3A_71 = tpu.memref_squeeze %dma_wait3A_70 : memref<1x!tpu.dma_semaphore, #tpu.memory_space<semaphore_mem>> -> memref<!tpu.dma_semaphore, #tpu.memory_space<semaphore_mem>>
    %dma_wait3A_72 = arith.constant 0 : i32
    %dma_wait3A_73 = tpu.memref_slice %arg5[%mul3A_2, %dma_wait3A_72] : memref<204800x128xf32, #tpu.memory_space<hbm>> -> memref<128x128xf32, #tpu.memory_space<hbm>>
    tpu.wait_dma2 semaphore(%dma_wait3A_71 : memref<!tpu.dma_semaphore, #tpu.memory_space<semaphore_mem>>) src(%arg7 : memref<128x128xf32, #tpu.memory_space<vmem>>) dst(%dma_wait3A_73 : memref<128x128xf32, #tpu.memory_space<hbm>>)
    %dma_start3A_74 = arith.constant 3 : i32
    %dma_start3A_75 = arith.constant 6016 : i32
    %dma_start3A_76 = tpu.memref_slice %arg6[%dma_start3A_75] : memref<6400xi32, #tpu.memory_space<vmem>> -> memref<128xi32, #tpu.memory_space<vmem>>
    %dma_start3A_77 = arith.constant 0 : i32
    %dma_start3A_78 = arith.constant 0 : i32
    %dma_start3A_79 = tpu.memref_slice %arg2[%dma_start3A_77, %dma_start3A_78] : memref<100000x128xf32, #tpu.memory_space<hbm>> -> memref<100000x128xf32, #tpu.memory_space<hbm>>
    %dma_start3A_80 = tpu.memref_slice %arg13[%dma_start3A_74] : memref<4x!tpu.dma_semaphore, #tpu.memory_space<semaphore_mem>> -> memref<1x!tpu.dma_semaphore, #tpu.memory_space<semaphore_mem>>
    %dma_start3A_81 = tpu.memref_squeeze %dma_start3A_80 : memref<1x!tpu.dma_semaphore, #tpu.memory_space<semaphore_mem>> -> memref<!tpu.dma_semaphore, #tpu.memory_space<semaphore_mem>>
    tpu.enqueue_indirect_dma source(%dma_start3A_79 : memref<100000x128xf32, #tpu.memory_space<hbm>>) target(%arg10 : memref<128x128xf32, #tpu.memory_space<vmem>>) offsets(%dma_start3A_76 : memref<128xi32, #tpu.memory_space<vmem>>) semaphore(%dma_start3A_81 : memref<!tpu.dma_semaphore, #tpu.memory_space<semaphore_mem>>) {add = true}
    %dma_wait3A_82 = arith.constant 2 : i32
    %dma_wait3A_83 = arith.constant 0 : i32
    %dma_wait3A_84 = tpu.memref_slice %arg6[%dma_wait3A_83] : memref<6400xi32, #tpu.memory_space<vmem>> -> memref<128xi32, #tpu.memory_space<vmem>>
    %dma_wait3A_85 = arith.constant 0 : i32
    %dma_wait3A_86 = arith.constant 0 : i32
    %dma_wait3A_87 = tpu.memref_slice %arg2[%dma_wait3A_85, %dma_wait3A_86] : memref<100000x128xf32, #tpu.memory_space<hbm>> -> memref<100000x128xf32, #tpu.memory_space<hbm>>
    %dma_wait3A_88 = tpu.memref_slice %arg13[%dma_wait3A_82] : memref<4x!tpu.dma_semaphore, #tpu.memory_space<semaphore_mem>> -> memref<1x!tpu.dma_semaphore, #tpu.memory_space<semaphore_mem>>
    %dma_wait3A_89 = tpu.memref_squeeze %dma_wait3A_88 : memref<1x!tpu.dma_semaphore, #tpu.memory_space<semaphore_mem>> -> memref<!tpu.dma_semaphore, #tpu.memory_space<semaphore_mem>>
    tpu.wait_indirect_dma semaphore(%dma_wait3A_89 : memref<!tpu.dma_semaphore, #tpu.memory_space<semaphore_mem>>) src(%dma_wait3A_87 : memref<100000x128xf32, #tpu.memory_space<hbm>>) dst(%arg9 : memref<128x128xf32, #tpu.memory_space<vmem>>)
    %add3A_90 = arith.constant 5888 : i32
    %add3A_91 = arith.addi %mul3A_2, %add3A_90 : i32
    %dma_start3A_92 = arith.constant 2 : i32
    %dma_start3A_93 = arith.constant 0 : i32
    %dma_start3A_94 = tpu.memref_slice %arg5[%add3A_91, %dma_start3A_93] : memref<204800x128xf32, #tpu.memory_space<hbm>> -> memref<128x128xf32, #tpu.memory_space<hbm>>
    %dma_start3A_95 = tpu.memref_slice %arg14[%dma_start3A_92] : memref<4x!tpu.dma_semaphore, #tpu.memory_space<semaphore_mem>> -> memref<1x!tpu.dma_semaphore, #tpu.memory_space<semaphore_mem>>
    %dma_start3A_96 = tpu.memref_squeeze %dma_start3A_95 : memref<1x!tpu.dma_semaphore, #tpu.memory_space<semaphore_mem>> -> memref<!tpu.dma_semaphore, #tpu.memory_space<semaphore_mem>>
    %dma_start3A_97 = arith.constant 0 : i32
    %dma_start3A_98 = tpu.memref_slice %arg5[%add3A_91, %dma_start3A_97] : memref<204800x128xf32, #tpu.memory_space<hbm>> -> memref<128x128xf32, #tpu.memory_space<hbm>>
    tpu.enqueue_dma source(%arg9 : memref<128x128xf32, #tpu.memory_space<vmem>>) target(%dma_start3A_98 : memref<128x128xf32, #tpu.memory_space<hbm>>) target_semaphore(%dma_start3A_96 : memref<!tpu.dma_semaphore, #tpu.memory_space<semaphore_mem>>)
    %dma_wait3A_99 = arith.constant 1 : i32
    %dma_wait3A_100 = arith.constant 0 : i32
    %dma_wait3A_101 = tpu.memref_slice %arg5[%mul3A_2, %dma_wait3A_100] : memref<204800x128xf32, #tpu.memory_space<hbm>> -> memref<128x128xf32, #tpu.memory_space<hbm>>
    %dma_wait3A_102 = tpu.memref_slice %arg14[%dma_wait3A_99] : memref<4x!tpu.dma_semaphore, #tpu.memory_space<semaphore_mem>> -> memref<1x!tpu.dma_semaphore, #tpu.memory_space<semaphore_mem>>
    %dma_wait3A_103 = tpu.memref_squeeze %dma_wait3A_102 : memref<1x!tpu.dma_semaphore, #tpu.memory_space<semaphore_mem>> -> memref<!tpu.dma_semaphore, #tpu.memory_space<semaphore_mem>>
    %dma_wait3A_104 = arith.constant 0 : i32
    %dma_wait3A_105 = tpu.memref_slice %arg5[%mul3A_2, %dma_wait3A_104] : memref<204800x128xf32, #tpu.memory_space<hbm>> -> memref<128x128xf32, #tpu.memory_space<hbm>>
    tpu.wait_dma2 semaphore(%dma_wait3A_103 : memref<!tpu.dma_semaphore, #tpu.memory_space<semaphore_mem>>) src(%arg8 : memref<128x128xf32, #tpu.memory_space<vmem>>) dst(%dma_wait3A_105 : memref<128x128xf32, #tpu.memory_space<hbm>>)
    %dma_start3A_106 = arith.constant 0 : i32
    %dma_start3A_107 = arith.constant 6144 : i32
    %dma_start3A_108 = tpu.memref_slice %arg6[%dma_start3A_107] : memref<6400xi32, #tpu.memory_space<vmem>> -> memref<128xi32, #tpu.memory_space<vmem>>
    %dma_start3A_109 = arith.constant 0 : i32
    %dma_start3A_110 = arith.constant 0 : i32
    %dma_start3A_111 = tpu.memref_slice %arg2[%dma_start3A_109, %dma_start3A_110] : memref<100000x128xf32, #tpu.memory_space<hbm>> -> memref<100000x128xf32, #tpu.memory_space<hbm>>
    %dma_start3A_112 = tpu.memref_slice %arg13[%dma_start3A_106] : memref<4x!tpu.dma_semaphore, #tpu.memory_space<semaphore_mem>> -> memref<1x!tpu.dma_semaphore, #tpu.memory_space<semaphore_mem>>
    %dma_start3A_113 = tpu.memref_squeeze %dma_start3A_112 : memref<1x!tpu.dma_semaphore, #tpu.memory_space<semaphore_mem>> -> memref<!tpu.dma_semaphore, #tpu.memory_space<semaphore_mem>>
    tpu.enqueue_indirect_dma source(%dma_start3A_111 : memref<100000x128xf32, #tpu.memory_space<hbm>>) target(%arg7 : memref<128x128xf32, #tpu.memory_space<vmem>>) offsets(%dma_start3A_108 : memref<128xi32, #tpu.memory_space<vmem>>) semaphore(%dma_start3A_113 : memref<!tpu.dma_semaphore, #tpu.memory_space<semaphore_mem>>) {add = true}
    %dma_wait3A_114 = arith.constant 3 : i32
    %dma_wait3A_115 = arith.constant 0 : i32
    %dma_wait3A_116 = tpu.memref_slice %arg6[%dma_wait3A_115] : memref<6400xi32, #tpu.memory_space<vmem>> -> memref<128xi32, #tpu.memory_space<vmem>>
    %dma_wait3A_117 = arith.constant 0 : i32
    %dma_wait3A_118 = arith.constant 0 : i32
    %dma_wait3A_119 = tpu.memref_slice %arg2[%dma_wait3A_117, %dma_wait3A_118] : memref<100000x128xf32, #tpu.memory_space<hbm>> -> memref<100000x128xf32, #tpu.memory_space<hbm>>
    %dma_wait3A_120 = tpu.memref_slice %arg13[%dma_wait3A_114] : memref<4x!tpu.dma_semaphore, #tpu.memory_space<semaphore_mem>> -> memref<1x!tpu.dma_semaphore, #tpu.memory_space<semaphore_mem>>
    %dma_wait3A_121 = tpu.memref_squeeze %dma_wait3A_120 : memref<1x!tpu.dma_semaphore, #tpu.memory_space<semaphore_mem>> -> memref<!tpu.dma_semaphore, #tpu.memory_space<semaphore_mem>>
    tpu.wait_indirect_dma semaphore(%dma_wait3A_121 : memref<!tpu.dma_semaphore, #tpu.memory_space<semaphore_mem>>) src(%dma_wait3A_119 : memref<100000x128xf32, #tpu.memory_space<hbm>>) dst(%arg10 : memref<128x128xf32, #tpu.memory_space<vmem>>)
    %add3A_122 = arith.constant 6016 : i32
    %add3A_123 = arith.addi %mul3A_2, %add3A_122 : i32
    %dma_start3A_124 = arith.constant 3 : i32
    %dma_start3A_125 = arith.constant 0 : i32
    %dma_start3A_126 = tpu.memref_slice %arg5[%add3A_123, %dma_start3A_125] : memref<204800x128xf32, #tpu.memory_space<hbm>> -> memref<128x128xf32, #tpu.memory_space<hbm>>
    %dma_start3A_127 = tpu.memref_slice %arg14[%dma_start3A_124] : memref<4x!tpu.dma_semaphore, #tpu.memory_space<semaphore_mem>> -> memref<1x!tpu.dma_semaphore, #tpu.memory_space<semaphore_mem>>
    %dma_start3A_128 = tpu.memref_squeeze %dma_start3A_127 : memref<1x!tpu.dma_semaphore, #tpu.memory_space<semaphore_mem>> -> memref<!tpu.dma_semaphore, #tpu.memory_space<semaphore_mem>>
    %dma_start3A_129 = arith.constant 0 : i32
    %dma_start3A_130 = tpu.memref_slice %arg5[%add3A_123, %dma_start3A_129] : memref<204800x128xf32, #tpu.memory_space<hbm>> -> memref<128x128xf32, #tpu.memory_space<hbm>>
    tpu.enqueue_dma source(%arg10 : memref<128x128xf32, #tpu.memory_space<vmem>>) target(%dma_start3A_130 : memref<128x128xf32, #tpu.memory_space<hbm>>) target_semaphore(%dma_start3A_128 : memref<!tpu.dma_semaphore, #tpu.memory_space<semaphore_mem>>)
    %dma_wait3A_131 = arith.constant 2 : i32
    %dma_wait3A_132 = arith.constant 0 : i32
    %dma_wait3A_133 = tpu.memref_slice %arg5[%mul3A_2, %dma_wait3A_132] : memref<204800x128xf32, #tpu.memory_space<hbm>> -> memref<128x128xf32, #tpu.memory_space<hbm>>
    %dma_wait3A_134 = tpu.memref_slice %arg14[%dma_wait3A_131] : memref<4x!tpu.dma_semaphore, #tpu.memory_space<semaphore_mem>> -> memref<1x!tpu.dma_semaphore, #tpu.memory_space<semaphore_mem>>
    %dma_wait3A_135 = tpu.memref_squeeze %dma_wait3A_134 : memref<1x!tpu.dma_semaphore, #tpu.memory_space<semaphore_mem>> -> memref<!tpu.dma_semaphore, #tpu.memory_space<semaphore_mem>>
    %dma_wait3A_136 = arith.constant 0 : i32
    %dma_wait3A_137 = tpu.memref_slice %arg5[%mul3A_2, %dma_wait3A_136] : memref<204800x128xf32, #tpu.memory_space<hbm>> -> memref<128x128xf32, #tpu.memory_space<hbm>>
    tpu.wait_dma2 semaphore(%dma_wait3A_135 : memref<!tpu.dma_semaphore, #tpu.memory_space<semaphore_mem>>) src(%arg9 : memref<128x128xf32, #tpu.memory_space<vmem>>) dst(%dma_wait3A_137 : memref<128x128xf32, #tpu.memory_space<hbm>>)
    %dma_start3A_138 = arith.constant 1 : i32
    %dma_start3A_139 = arith.constant 6272 : i32
    %dma_start3A_140 = tpu.memref_slice %arg6[%dma_start3A_139] : memref<6400xi32, #tpu.memory_space<vmem>> -> memref<128xi32, #tpu.memory_space<vmem>>
    %dma_start3A_141 = arith.constant 0 : i32
    %dma_start3A_142 = arith.constant 0 : i32
    %dma_start3A_143 = tpu.memref_slice %arg2[%dma_start3A_141, %dma_start3A_142] : memref<100000x128xf32, #tpu.memory_space<hbm>> -> memref<100000x128xf32, #tpu.memory_space<hbm>>
    %dma_start3A_144 = tpu.memref_slice %arg13[%dma_start3A_138] : memref<4x!tpu.dma_semaphore, #tpu.memory_space<semaphore_mem>> -> memref<1x!tpu.dma_semaphore, #tpu.memory_space<semaphore_mem>>
    %dma_start3A_145 = tpu.memref_squeeze %dma_start3A_144 : memref<1x!tpu.dma_semaphore, #tpu.memory_space<semaphore_mem>> -> memref<!tpu.dma_semaphore, #tpu.memory_space<semaphore_mem>>
    tpu.enqueue_indirect_dma source(%dma_start3A_143 : memref<100000x128xf32, #tpu.memory_space<hbm>>) target(%arg8 : memref<128x128xf32, #tpu.memory_space<vmem>>) offsets(%dma_start3A_140 : memref<128xi32, #tpu.memory_space<vmem>>) semaphore(%dma_start3A_145 : memref<!tpu.dma_semaphore, #tpu.memory_space<semaphore_mem>>) {add = true}
    %dma_wait3A_146 = arith.constant 0 : i32
    %dma_wait3A_147 = arith.constant 0 : i32
    %dma_wait3A_148 = tpu.memref_slice %arg6[%dma_wait3A_147] : memref<6400xi32, #tpu.memory_space<vmem>> -> memref<128xi32, #tpu.memory_space<vmem>>
    %dma_wait3A_149 = arith.constant 0 : i32
    %dma_wait3A_150 = arith.constant 0 : i32
    %dma_wait3A_151 = tpu.memref_slice %arg2[%dma_wait3A_149, %dma_wait3A_150] : memref<100000x128xf32, #tpu.memory_space<hbm>> -> memref<100000x128xf32, #tpu.memory_space<hbm>>
    %dma_wait3A_152 = tpu.memref_slice %arg13[%dma_wait3A_146] : memref<4x!tpu.dma_semaphore, #tpu.memory_space<semaphore_mem>> -> memref<1x!tpu.dma_semaphore, #tpu.memory_space<semaphore_mem>>
    %dma_wait3A_153 = tpu.memref_squeeze %dma_wait3A_152 : memref<1x!tpu.dma_semaphore, #tpu.memory_space<semaphore_mem>> -> memref<!tpu.dma_semaphore, #tpu.memory_space<semaphore_mem>>
    tpu.wait_indirect_dma semaphore(%dma_wait3A_153 : memref<!tpu.dma_semaphore, #tpu.memory_space<semaphore_mem>>) src(%dma_wait3A_151 : memref<100000x128xf32, #tpu.memory_space<hbm>>) dst(%arg7 : memref<128x128xf32, #tpu.memory_space<vmem>>)
    %add3A_154 = arith.constant 6144 : i32
    %add3A_155 = arith.addi %mul3A_2, %add3A_154 : i32
    %dma_start3A_156 = arith.constant 0 : i32
    %dma_start3A_157 = arith.constant 0 : i32
    %dma_start3A_158 = tpu.memref_slice %arg5[%add3A_155, %dma_start3A_157] : memref<204800x128xf32, #tpu.memory_space<hbm>> -> memref<128x128xf32, #tpu.memory_space<hbm>>
    %dma_start3A_159 = tpu.memref_slice %arg14[%dma_start3A_156] : memref<4x!tpu.dma_semaphore, #tpu.memory_space<semaphore_mem>> -> memref<1x!tpu.dma_semaphore, #tpu.memory_space<semaphore_mem>>
    %dma_start3A_160 = tpu.memref_squeeze %dma_start3A_159 : memref<1x!tpu.dma_semaphore, #tpu.memory_space<semaphore_mem>> -> memref<!tpu.dma_semaphore, #tpu.memory_space<semaphore_mem>>
    %dma_start3A_161 = arith.constant 0 : i32
    %dma_start3A_162 = tpu.memref_slice %arg5[%add3A_155, %dma_start3A_161] : memref<204800x128xf32, #tpu.memory_space<hbm>> -> memref<128x128xf32, #tpu.memory_space<hbm>>
    tpu.enqueue_dma source(%arg7 : memref<128x128xf32, #tpu.memory_space<vmem>>) target(%dma_start3A_162 : memref<128x128xf32, #tpu.memory_space<hbm>>) target_semaphore(%dma_start3A_160 : memref<!tpu.dma_semaphore, #tpu.memory_space<semaphore_mem>>)
    %dma_wait3A_163 = arith.constant 3 : i32
    %dma_wait3A_164 = arith.constant 0 : i32
    %dma_wait3A_165 = tpu.memref_slice %arg5[%mul3A_2, %dma_wait3A_164] : memref<204800x128xf32, #tpu.memory_space<hbm>> -> memref<128x128xf32, #tpu.memory_space<hbm>>
    %dma_wait3A_166 = tpu.memref_slice %arg14[%dma_wait3A_163] : memref<4x!tpu.dma_semaphore, #tpu.memory_space<semaphore_mem>> -> memref<1x!tpu.dma_semaphore, #tpu.memory_space<semaphore_mem>>
    %dma_wait3A_167 = tpu.memref_squeeze %dma_wait3A_166 : memref<1x!tpu.dma_semaphore, #tpu.memory_space<semaphore_mem>> -> memref<!tpu.dma_semaphore, #tpu.memory_space<semaphore_mem>>
    %dma_wait3A_168 = arith.constant 0 : i32
    %dma_wait3A_169 = tpu.memref_slice %arg5[%mul3A_2, %dma_wait3A_168] : memref<204800x128xf32, #tpu.memory_space<hbm>> -> memref<128x128xf32, #tpu.memory_space<hbm>>
    tpu.wait_dma2 semaphore(%dma_wait3A_167 : memref<!tpu.dma_semaphore, #tpu.memory_space<semaphore_mem>>) src(%arg10 : memref<128x128xf32, #tpu.memory_space<vmem>>) dst(%dma_wait3A_169 : memref<128x128xf32, #tpu.memory_space<hbm>>)
    %dma_wait3A_170 = arith.constant 1 : i32
    %dma_wait3A_171 = arith.constant 0 : i32
    %dma_wait3A_172 = tpu.memref_slice %arg6[%dma_wait3A_171] : memref<6400xi32, #tpu.memory_space<vmem>> -> memref<128xi32, #tpu.memory_space<vmem>>
    %dma_wait3A_173 = arith.constant 0 : i32
    %dma_wait3A_174 = arith.constant 0 : i32
    %dma_wait3A_175 = tpu.memref_slice %arg2[%dma_wait3A_173, %dma_wait3A_174] : memref<100000x128xf32, #tpu.memory_space<hbm>> -> memref<100000x128xf32, #tpu.memory_space<hbm>>
    %dma_wait3A_176 = tpu.memref_slice %arg13[%dma_wait3A_170] : memref<4x!tpu.dma_semaphore, #tpu.memory_space<semaphore_mem>> -> memref<1x!tpu.dma_semaphore, #tpu.memory_space<semaphore_mem>>
    %dma_wait3A_177 = tpu.memref_squeeze %dma_wait3A_176 : memref<1x!tpu.dma_semaphore, #tpu.memory_space<semaphore_mem>> -> memref<!tpu.dma_semaphore, #tpu.memory_space<semaphore_mem>>
    tpu.wait_indirect_dma semaphore(%dma_wait3A_177 : memref<!tpu.dma_semaphore, #tpu.memory_space<semaphore_mem>>) src(%dma_wait3A_175 : memref<100000x128xf32, #tpu.memory_space<hbm>>) dst(%arg8 : memref<128x128xf32, #tpu.memory_space<vmem>>)
    %add3A_178 = arith.constant 6272 : i32
    %add3A_179 = arith.addi %mul3A_2, %add3A_178 : i32
    %dma_start3A_180 = arith.constant 1 : i32
    %dma_start3A_181 = arith.constant 0 : i32
    %dma_start3A_182 = tpu.memref_slice %arg5[%add3A_179, %dma_start3A_181] : memref<204800x128xf32, #tpu.memory_space<hbm>> -> memref<128x128xf32, #tpu.memory_space<hbm>>
    %dma_start3A_183 = tpu.memref_slice %arg14[%dma_start3A_180] : memref<4x!tpu.dma_semaphore, #tpu.memory_space<semaphore_mem>> -> memref<1x!tpu.dma_semaphore, #tpu.memory_space<semaphore_mem>>
    %dma_start3A_184 = tpu.memref_squeeze %dma_start3A_183 : memref<1x!tpu.dma_semaphore, #tpu.memory_space<semaphore_mem>> -> memref<!tpu.dma_semaphore, #tpu.memory_space<semaphore_mem>>
    %dma_start3A_185 = arith.constant 0 : i32
    %dma_start3A_186 = tpu.memref_slice %arg5[%add3A_179, %dma_start3A_185] : memref<204800x128xf32, #tpu.memory_space<hbm>> -> memref<128x128xf32, #tpu.memory_space<hbm>>
    tpu.enqueue_dma source(%arg8 : memref<128x128xf32, #tpu.memory_space<vmem>>) target(%dma_start3A_186 : memref<128x128xf32, #tpu.memory_space<hbm>>) target_semaphore(%dma_start3A_184 : memref<!tpu.dma_semaphore, #tpu.memory_space<semaphore_mem>>)
    %dma_wait3A_187 = arith.constant 0 : i32
    %dma_wait3A_188 = arith.constant 0 : i32
    %dma_wait3A_189 = tpu.memref_slice %arg5[%mul3A_2, %dma_wait3A_188] : memref<204800x128xf32, #tpu.memory_space<hbm>> -> memref<128x128xf32, #tpu.memory_space<hbm>>
    %dma_wait3A_190 = tpu.memref_slice %arg14[%dma_wait3A_187] : memref<4x!tpu.dma_semaphore, #tpu.memory_space<semaphore_mem>> -> memref<1x!tpu.dma_semaphore, #tpu.memory_space<semaphore_mem>>
    %dma_wait3A_191 = tpu.memref_squeeze %dma_wait3A_190 : memref<1x!tpu.dma_semaphore, #tpu.memory_space<semaphore_mem>> -> memref<!tpu.dma_semaphore, #tpu.memory_space<semaphore_mem>>
    %dma_wait3A_192 = arith.constant 0 : i32
    %dma_wait3A_193 = tpu.memref_slice %arg5[%mul3A_2, %dma_wait3A_192] : memref<204800x128xf32, #tpu.memory_space<hbm>> -> memref<128x128xf32, #tpu.memory_space<hbm>>
    tpu.wait_dma2 semaphore(%dma_wait3A_191 : memref<!tpu.dma_semaphore, #tpu.memory_space<semaphore_mem>>) src(%arg7 : memref<128x128xf32, #tpu.memory_space<vmem>>) dst(%dma_wait3A_193 : memref<128x128xf32, #tpu.memory_space<hbm>>)
    %dma_wait3A_194 = arith.constant 1 : i32
    %dma_wait3A_195 = arith.constant 0 : i32
    %dma_wait3A_196 = tpu.memref_slice %arg5[%mul3A_2, %dma_wait3A_195] : memref<204800x128xf32, #tpu.memory_space<hbm>> -> memref<128x128xf32, #tpu.memory_space<hbm>>
    %dma_wait3A_197 = tpu.memref_slice %arg14[%dma_wait3A_194] : memref<4x!tpu.dma_semaphore, #tpu.memory_space<semaphore_mem>> -> memref<1x!tpu.dma_semaphore, #tpu.memory_space<semaphore_mem>>
    %dma_wait3A_198 = tpu.memref_squeeze %dma_wait3A_197 : memref<1x!tpu.dma_semaphore, #tpu.memory_space<semaphore_mem>> -> memref<!tpu.dma_semaphore, #tpu.memory_space<semaphore_mem>>
    %dma_wait3A_199 = arith.constant 0 : i32
    %dma_wait3A_200 = tpu.memref_slice %arg5[%mul3A_2, %dma_wait3A_199] : memref<204800x128xf32, #tpu.memory_space<hbm>> -> memref<128x128xf32, #tpu.memory_space<hbm>>
    tpu.wait_dma2 semaphore(%dma_wait3A_198 : memref<!tpu.dma_semaphore, #tpu.memory_space<semaphore_mem>>) src(%arg8 : memref<128x128xf32, #tpu.memory_space<vmem>>) dst(%dma_wait3A_200 : memref<128x128xf32, #tpu.memory_space<hbm>>)
    return
  }
}

</mosaic_0001>

<sc_bundles>
// kernel: kernel.3.cloned.1.call-start
scs
__scs_entry_jumppad:
0x0: {  	(pc) =	sbr.rel $0x88, $3  }
0x1: {  	(tag) =	ssettag $0x0;
	lr =	simm.s32 $0x1  }
0x2: {  	[smem:$0x3F9F] =	sst lr;
	_ =	strace $0xD0000000  }
0x3: {  	_ = 	snop  }
0x4: {  	_ = 	snop  }
0x5: {  	_ = 	snop  }
0x6: {  	_ = 	snop  }
0x7: {  	_ = 	snop  }
__scs_overlays_trampoline_lowered:
0x8: {  	[smem:$0x3FAE] =	sst s0  }
0x9: {  	[smem:$0x3FAF] =	sst s1  }
0xa: {  	[smem:$0x3FB0] =	sst s2  }
0xb: {  	[smem:$0x3FB1] =	sst s3  }
0xc: {  	[smem:$0x3FB2] =	sst s4  }
0xd: {  	[smem:$0x3FB3] =	sst s5  }
0xe: {  	[smem:$0x3FB4] =	sst s6  }
0xf: {  	[smem:$0x3FB5] =	sst s7  }
0x10: {  	[smem:$0x3FB6] =	sst s8  }
0x11: {  	[smem:$0x3FB7] =	sst s9;
	s0 =	simm.s32 @!p0 $0x0  }
0x12: {  	s1 =	sld [smem:$0x3F9D];
	s0 =	simm.s32 @p0 $0x1  }
0x13: {  	[smem:$0x3FB8] =	sst s0;
	s0 =	simm.s32 @!p1 $0x0  }
0x14: {  	s2 =	sld [smem:$0x3F9C];
	s0 =	simm.s32 @p1 $0x1  }
0x15: {  	[smem:$0x3FB9] =	sst s0;
	s0 =	simm.s32 @!p2 $0x0  }
0x16: {  	s3 =	sld [smem:$0x3FDB];
	s0 =	simm.s32 @p2 $0x1  }
0x17: {  	s4 =	simm.s32 $0x1BF5;
	[smem:$0x3FBB] =	sst s0  }
0x18: {  	s0 =	sld [smem:$0x3F9E];
	_ =	swait.ge [sflag:s4], $0x0  }
0x19: {  	s7 =	sld [smem:$0x3F9F]  }
0x1a: {  	s8 =	sadd.s32 $0xFFFFE003, lr  }
0x1b: {  	s9 =	sadd.s32 $0xFFFFFEF7, lr;
	s5 =	simm.s32 $0xFFFFFFFF;
	p2 =	slt.u32 s8, $0xFFFFF086  }
0x1c: {  	p1 =	slt.u32 s9, $0xF7A;
	s5 =	simm.s32 @!p2 $0x0  }
0x1d: {  	s5 =	simm.s32 @p1 $0x1;
	p0 =	seq.s32 s7, s2  }
0x1e: {  	s7 =	smul.u32 @!p0 $0xF7A, s2;
	p2 =	seq.s32 @!p0 s5, $0x0  }
0x1f: {  	s9 =	smul.u32 $0xF7A, s1;
	s8 =	simm.s32 @!p0 $0x1BF5;
	p2 =	por !p2, p0  }
0x20: {  	[sflag:s8] =	ssyncset.s32 @!p0 $0xFFFFF086;
	s6 =	sadd.s32 @!p0 s3, s7;
	s7 =	simm.s32 @!p0 $0x108  }
0x21: {  	s3 =	sadd.s32 s3, s9;
	s6 =	sadd.s32 @!p0 $0x88, s6;
	s7 =	simm.s32 @p2 $0x1082  }
0x22: {  	[simem:s7], [sflag:s8] =	dma.local @!p0 [hbm:s6], $0xF7A  }
0x23: {  	s9 =	sor.u32 $0xD0000000, s2;
	s6 =	simm.s32 $0x108;
	_ =	swait.ge @!p0 [sflag:s8], $0x0  }
0x24: {  	s3 =	sadd.s32 $0x88, s3;
	s6 =	simm.s32 @!p1 $0x1082;
	[sflag:s4] =	ssyncset.s32 $0xFFFFF086  }
0x25: {  	[simem:s6], [sflag:s4] =	dma.local [hbm:s3], $0xF7A  }
0x26: {  	[smem:$0x3F9F] =	sst s1;
	(tag) =	ssettag s2;
	_ =	strace s9  }
0x27: {  	s1 =	sld [smem:$0x3FAF]  }
0x28: {  	s2 =	sld [smem:$0x3FB0]  }
0x29: {  	s4 =	sld [smem:$0x3FB2]  }
0x2a: {  	p0 =	seq.s32 s5, $0x0;
	s5 =	sld [smem:$0x3FB3]  }
0x2b: {  	s6 =	sld [smem:$0x3FB4]  }
0x2c: {  	s7 =	sld [smem:$0x3FB5]  }
0x2d: {  	s3 =	simm.s32 $0x108;
	s8 =	sld [smem:$0x3FB6]  }
0x2e: {  	s3 =	simm.s32 @!p0 $0x1082;
	s9 =	sld [smem:$0x3FB7]  }
0x2f: {  	lr =	sadd.s32 s0, s3;
	s0 =	sld [smem:$0x3FAE]  }
0x30: {  	s3 =	sld [smem:$0x3FB1]  }
0x31: {  	[smem:$0x3FBA] =	sst s10  }
0x32: {  	s10 =	sld [smem:$0x3FB8];
	_ =	sdelay $0x3  }
0x33: {  	p0 =	seq.s32 s10, $0x1;
	s10 =	sld [smem:$0x3FBA];
	_ =	sdelay $0x3  }
0x34: {  	[smem:$0x3FBA] =	sst s10  }
0x35: {  	s10 =	sld [smem:$0x3FB9];
	_ =	sdelay $0x3  }
0x36: {  	p1 =	seq.s32 s10, $0x1;
	s10 =	sld [smem:$0x3FBA];
	_ =	sdelay $0x3  }
0x37: {  	[smem:$0x3FBA] =	sst s10  }
0x38: {  	s10 =	sld [smem:$0x3FBB]  }
0x39: {  	_ = 	snop;
	(pc) =	sbr.ind lr, $3  }
0x3a: {  	_ = 	snop  }
0x3b: {  	_ = 	snop  }
0x3c: {  	p2 =	seq.s32 s10, $0x1;
	s10 =	sld [smem:$0x3FBA]  }
0x3d: {  	_ =	shalt  }
0x3e: {  	_ =	shalt  }
0x3f: {  	_ =	shalt  }
0x40: {  	_ =	shalt  }
0x41: {  	_ =	shalt  }
0x42: {  	_ =	shalt  }
0x43: {  	_ =	shalt  }
0x44: {  	_ =	shalt  }
0x45: {  	_ =	shalt  }
0x46: {  	_ =	shalt  }
0x47: {  	_ =	shalt  }
0x48: {  	_ =	shalt  }
0x49: {  	_ =	shalt  }
0x4a: {  	_ =	shalt  }
0x4b: {  	_ =	shalt  }
0x4c: {  	_ =	shalt  }
0x4d: {  	_ =	shalt  }
0x4e: {  	_ =	shalt  }
0x4f: {  	_ =	shalt  }
0x50: {  	_ =	shalt  }
0x51: {  	_ =	shalt  }
0x52: {  	_ =	shalt  }
0x53: {  	_ =	shalt  }
0x54: {  	_ =	shalt  }
0x55: {  	_ =	shalt  }
0x56: {  	_ =	shalt  }
0x57: {  	_ =	shalt  }
0x58: {  	_ =	shalt  }
0x59: {  	_ =	shalt  }
0x5a: {  	_ =	shalt  }
0x5b: {  	_ =	shalt  }
0x5c: {  	_ =	shalt  }
0x5d: {  	_ =	shalt  }
0x5e: {  	_ =	shalt  }
0x5f: {  	_ =	shalt  }
0x60: {  	_ =	shalt  }
0x61: {  	_ =	shalt  }
0x62: {  	_ =	shalt  }
0x63: {  	_ =	shalt  }
0x64: {  	_ =	shalt  }
0x65: {  	_ =	shalt  }
0x66: {  	_ =	shalt  }
0x67: {  	_ =	shalt  }
0x68: {  	_ =	shalt  }
0x69: {  	_ =	shalt  }
0x6a: {  	_ =	shalt  }
0x6b: {  	_ =	shalt  }
0x6c: {  	_ =	shalt  }
0x6d: {  	_ =	shalt  }
0x6e: {  	_ =	shalt  }
0x6f: {  	_ =	shalt  }
0x70: {  	_ =	shalt  }
0x71: {  	_ =	shalt  }
0x72: {  	_ =	shalt  }
0x73: {  	_ =	shalt  }
0x74: {  	_ =	shalt  }
0x75: {  	_ =	shalt  }
0x76: {  	_ =	shalt  }
0x77: {  	_ =	shalt  }
0x78: {  	_ =	shalt  }
0x79: {  	_ =	shalt  }
0x7a: {  	_ =	shalt  }
0x7b: {  	_ =	shalt  }
0x7c: {  	_ =	shalt  }
0x7d: {  	_ =	shalt  }
0x7e: {  	_ =	shalt  }
0x7f: {  	_ =	shalt  }
0x80: {  	_ =	shalt  }
0x81: {  	_ =	shalt  }
0x82: {  	_ =	shalt  }
0x83: {  	_ =	shalt  }
0x84: {  	_ =	shalt  }
0x85: {  	_ =	shalt  }
0x86: {  	_ =	shalt  }
0x87: {  	_ =	shalt  }
.Lfunc_end0:
.L_simem_size_0:
called_computation_lowered:
.L_overlay_start_0:
0x88: {  	s2 =	sld [smem:$0x3FD9]  }
0x89: {  	s3 =	sld [smem:$0x3FFE];
	_ =	sdelay $0x1  }
0x8a: {  	s1 =	srdreg.scid  }
0x8b: {  	s0 =	sand.u32 $0x1, s1  }
0x8c: {  	s17 =	sshll.u32 s0, $0xA;
	s2 =	sadd.s32 s3, s2  }
0x8d: {  	s2 =	sadd.s32 s2, s17  }
0x8e: {  	[smem:$0x3FC6] =	sst s2  }
0x8f: {  	_ = 	snop  }
0x90: {  	s2 =	sld [smem:$0x3FC8]  }
0x91: {  	s18 =	sld [smem:$0x3FD0];
	(tm) =	ssettm $0x1  }
0x92: {  	s4 =	sld [smem:$0x3FFB];
	_ =	sdelay $0x3  }
0x93: {  	_ =	strace s4  }
0x94: {  	s4 =	sld [smem:$0x3FFC];
	_ =	sdelay $0x3  }
0x95: {  	_ =	strace s4  }
0x96: {  	s4 =	sld [smem:$0x3FFD];
	_ =	sdelay $0x3  }
0x97: {  	_ =	strace s4  }
0x98: {  	_ =	strace $0x8FFFFFFF  }
0x99: {  	s19 =	sld [smem:$0x3FDB];
	_ =	sdelay $0x1  }
0x9a: {  	s5 =	simm.s32 $_scs_section_size  }
0x9b: {  	s6 =	simm.s32 $_size__tile_overlayer_lowered;
	s7 =	simm.s32 $_tile_overlayer_lowered  }
0x9c: {  	s22 =	simm.s32 $0x1BFF;
	s21 =	sshll.u32 s7, $0x1;
	s4 =	sadd.s32 s5, s19  }
0x9d: {  	s8 =	simm.s32 $0x0;
	s20 =	sshll.u32 s6, $0x1;
	s6 =	sadd.s32 s21, s4  }
0x9e: {  	[timem:s8], [sflag:s22] =	dma.local [hbm:s6], s20  }
0x9f: {  	_ =	swait.ge [sflag:s22], s20  }
0xa0: {  	s5 =	ssub.s32 $0x0, s20;
	[sflag:s22] =	ssyncset.done $0x0  }
0xa1: {  	[sflag:s22] =	ssyncadd.s32 s5;
	_ =	sdelay $0x1  }
0xa2: {  	s23 =	simm.s32 $0x1B8B  }
0xa3: {  	_ =	swait.ge [sflag:s23], $0x1  }
0xa4: {  	[sflag:s23] =	ssyncset.done $0x0  }
0xa5: {  	s25 =	simm.s32 $0x1B8E;
	s24 =	sld [smem:$0x3FFE];
	[sflag:s23] =	ssyncadd.s32 $0xFFFFFFFF  }
0xa6: {  	s26 =	simm.s32 $execute0_lowered;
	[smem:$0x3FD2] =	sst s25  }
0xa7: {  	s6 =	sshll.u32 s26, $0x1;
	_ =	strace $0x80000046;
	[dreg:$0x1] =	wrdreg $0xFFFFFFFF  }
0xa8: {  	s28 =	simm.s32 $_size_execute0_lowered;
	s4 =	sadd.s32 s4, s6;
	[dreg:$0x0] =	wrdreg $0x0  }
0xa9: {  	s6 =	sshll.u32 s28, $0x1;
	[dreg:$0x2] =	wrdreg s4  }
0xaa: {  	[dreg:$0x3] =	wrdreg s6  }
0xab: {  	[dreg:$0x4] =	wrdreg $0xC0  }
0xac: {  	_ =	task [dreg:s8], $0x5FFFF  }
0xad: {  	[dreg:$0x1] =	wrdreg $0xFFFFFFFF  }
0xae: {  	[dreg:$0x0] =	wrdreg $0x60  }
0xaf: {  	[dreg:$0x2] =	wrdreg s2  }
0xb0: {  	[dreg:$0x3] =	wrdreg s24  }
0xb1: {  	[dreg:$0x4] =	wrdreg s18  }
0xb2: {  	[dreg:$0x5] =	wrdreg $0x119000  }
0xb3: {  	[dreg:$0x6] =	wrdreg $0x9  }
0xb4: {  	_ =	task.clear_ibuf [dreg:s8], $0x7FFFF;
	_ =	strace $0x90000046  }
0xb5: {  	s29 =	simm.s32 $0x9;
	_ =	strace $0x80000048  }
0xb6: {  	_ =	swait.ge [sflag:s29], $0x1  }
0xb7: {  	[sflag:s29] =	ssyncadd.s32 $0xFFFFFFFF  }
0xb8: {  	_ =	strace $0x90000048  }
0xb9: {  	_ =	sfence  }
0xba: {  	s30 =	sld [smem:$0x0];
	_ =	sdelay $0x2  }
0xbb: {  	s31 =	sshll.u32 s1, $0xD;
	s1 =	sshrl.u32 s1, $0x2  }
0xbc: {  	s3 =	sand.u32 $0x4000, s31;
	s1 =	sadd.s32 s1, s30  }
0xbd: {  	s0 =	sor.u32 s3, s0;
	s1 =	sshll.u32 s1, $0x11  }
0xbe: {  	s0 =	sor.u32 s1, s0  }
0xbf: {  	s0 =	sadd.s32 $0x8F2B, s0  }
0xc0: {  	[sflag:s0] =	ssyncadd.remote.s32 $0x1  }
0xc1: {  	_ =	sfence.sel $0xFFFF  }
0xc2: {  	[dreg:$0x0] =	wrdreg $0xFFFFFFFF;
	(pc) =	sbr.abs _section_cstart, $3  }
0xc3: {  	[dreg:$0x1] =	wrdreg $0xFFFFFFFF  }
0xc4: {  	_ =	task.clear_ibuf [dreg:s8], $0x2FFFF;
	_ =	strace $0x9FFFFFFF  }
0xc5: {  	(tm) =	ssettm $0x7FFFFFFF  }
tec
execute0_lowered:
.L_overlay_start_1:
0x0: {  	(tag) =	ssettag $0x1  }
0x1: {  	s0 =	rddreg [dreg:$0x0]  }
0x2: {  	s1 =	rddreg [dreg:$0x1]  }
0x3: {  	s11 =	rddreg [dreg:$0x2];
	s2 =	srdreg.scid  }
0x4: {  	s12 =	stileid.u32;
	s13 =	rddreg [dreg:$0x3];
	s16 =	simm.s32 $0x1900  }
0x5: {  	s17 =	simm.s32 $0x5900;
	s18 =	simm.s32 $0x1;
	s20 =	simm.s32 $0x9900  }
0x6: {  	s21 =	simm.s32 $0x2;
	s22 =	simm.s32 $0x5;
	s23 =	simm.s32 $0xD900  }
0x7: {  	s24 =	simm.s32 $0x3;
	s28 =	simm.s32 $0x7;
	s29 =	simm.s32 $0x8  }
0x8: {  	s19 =	simm.s32 $0x0;
	s9 =	sand.u32 $0x1, s2;
	s3 =	sshll.u32 s12, $0x1  }
0x9: {  	s2 =	simm.s32 $0x0;
	s14 =	smul.u32 $0x32000, s12;
	p0 =	sne.s32 s12, $0x0  }
0xa: {  	s3 =	sor.u32 s9, s3;
	[smem:$0x7FF] =	sst s2;
	s15 =	smul.u32 $0x19000, s9  }
0xb: {  	s5 =	ssub.s32 $0x2, s9;
	s13 =	sshrl.u32 @!p0 s13, $0x3;
	s4 =	smul.u32 $0x1900, s3  }
0xc: {  	_ =	strace $0x80000047;
	s6 =	smul.u32 $0x19000, s3;
	s7 =	sshrl.u32 s5, $0x1  }
0xd: {  	s8 =	smul.u32 $0xC8000, s3;
	s14 =	sadd.s32 s14, s11;
	s25 =	ssub.s32 s5, s7  }
0xe: {  	s31 =	sadd.s32 s15, s14;
	s14 =	simm.s32 $0x9;
	s15 =	simm.s32 $0x80  }
0xf: {  	s4 =	sshrl.u32 s4, $0x3;
	s5 =	sadd.s32 s11, s6;
	s30 =	sshrl.u32 s8, $0x3  }
0x10: {  	s4 =	sadd.s32 s4, s1;
	s1 =	sadd.s32 $0x6800, s1;
	s6 =	sadd.s32 $0x800, s5  }
0x11: {  	s10 =	sadd.s32 s11, s30;
	s11 =	smax.u32 s25, $0x1;
	s25 =	simm.s32 $0x6  }
0x12: {  	[dreg:$0x5] =	wrdreg s1;
	s26 =	sadd.s32 $0x400, s4;
	s7 =	sadd.s32 $0x17000, s10  }
0x13: {  	s8 =	sadd.s32 $0x17800, s10;
	s9 =	sadd.s32 $0x18000, s10;
	s10 =	sadd.s32 $0x18800, s10  }
0x14: {  	s1 =	sadd.s32 $0x2800, s31;
	[dreg:$0x6] =	wrdreg s26;
	s26 =	simm.s32 $0x4  }
.LBB2_1:
0x15: {  	s12 =	simm.s32 @!p0 $0x1C09;
	s3 =	rddreg [dreg:$0x5]  }
0x16: {  	[spmem:s13], [sflag:s12] =	dma.local @!p0 [hbm:s3], $0x1480  }
0x17: {  	s12 =	simm.s32 @!p0 $0x9  }
0x18: {  	_ =	swait.ge @!p0 [sflag:s12], $0x1480  }
0x19: {  	[sflag:s12] =	ssyncset.done @!p0 $0x0  }
0x1a: {  	s4 =	rddreg [dreg:$0x6];
	[sflag:s12] =	ssyncadd.s32 @!p0 $0xFFFFEB80  }
0x1b: {  	[tilespmem:s2], [sflag:$0x9] =	stream.linear.gather [hbm4b:s4+s2], $0x1900, $0x38;
	[tilespmem:$0x12340] =	vst v63  }
0x1c: {  	_ =	swait.ge [sflag:s14], $0x1900  }
0x1d: {  	[sflag:s14] =	ssyncset.done $0x0  }
0x1e: {  	[sflag:s14] =	ssyncadd.s32 $0xFFFFE700  }
0x1f: {  	[bflag:$0x0] =	sbarrier.arrive $0xFFFF  }
0x20: {  	[tilespmem:s16], [sflag:$0x1] =	stream.indirect.gather.add.f32 [hbm:s0], $0x80, s2, s15, $0xb8;
	[tilespmem:$0x12340] =	vst v63  }
0x21: {  	_ = 	snop  }
0x22: {  	[tilespmem:s17], [sflag:$0x2] =	stream.indirect.gather.add.f32 [hbm:s0], $0x80, s15, s15, $0xb8;
	[tilespmem:$0x12340] =	vst v63  }
0x23: {  	_ =	swait.ge [sflag:s18], $0x4000  }
0x24: {  	[sflag:s18] =	ssyncset.done $0x0  }
0x25: {  	[sflag:s18] =	ssyncadd.s32 $0xFFFFC000  }
0x26: {  	[hbm4b:s5+s2] =	stream.linear.scatter [tilespmem:s16], [sflag:$0x5], $0x4000, $0x38;
	[tilespmem:$0x12340] =	vst v63  }
0x27: {  	s12 =	simm.s32 $0x100  }
0x28: {  	[tilespmem:s20], [sflag:$0x3] =	stream.indirect.gather.add.f32 [hbm:s0], $0x80, s12, s15, $0xb8;
	[tilespmem:$0x12340] =	vst v63  }
0x29: {  	_ =	swait.ge [sflag:s21], $0x4000  }
0x2a: {  	[sflag:s21] =	ssyncset.done $0x0  }
0x2b: {  	[sflag:s21] =	ssyncadd.s32 $0xFFFFC000  }
0x2c: {  	[hbm4b:s6+s2] =	stream.linear.scatter [tilespmem:s17], [sflag:$0x6], $0x4000, $0x38;
	[tilespmem:$0x12340] =	vst v63  }
0x2d: {  	_ =	swait.ge [sflag:s22], $0x4000  }
0x2e: {  	[sflag:s22] =	ssyncset.done $0x0  }
0x2f: {  	s4 =	simm.s32 $0x180;
	[sflag:s22] =	ssyncadd.s32 $0xFFFFC000  }
0x30: {  	[tilespmem:s23], [sflag:$0x4] =	stream.indirect.gather.add.f32 [hbm:s0], $0x80, s4, s15, $0xb8;
	[tilespmem:$0x12340] =	vst v63  }
0x31: {  	_ =	swait.ge [sflag:s24], $0x4000  }
0x32: {  	[sflag:s24] =	ssyncset.done $0x0  }
0x33: {  	s3 =	sadd.s32 $0xFFFFE800, s1;
	[sflag:s24] =	ssyncadd.s32 $0xFFFFC000  }
0x34: {  	[hbm4b:s3+s2] =	stream.linear.scatter [tilespmem:s20], [sflag:$0x7], $0x4000, $0x38;
	[tilespmem:$0x12340] =	vst v63  }
0x35: {  	_ =	swait.ge [sflag:s25], $0x4000  }
0x36: {  	[sflag:s25] =	ssyncset.done $0x0  }
0x37: {  	s4 =	simm.s32 $0x200;
	[sflag:s25] =	ssyncadd.s32 $0xFFFFC000  }
0x38: {  	[tilespmem:s16], [sflag:$0x1] =	stream.indirect.gather.add.f32 [hbm:s0], $0x80, s4, s15, $0xb8;
	[tilespmem:$0x12340] =	vst v63  }
0x39: {  	_ =	swait.ge [sflag:s26], $0x4000  }
0x3a: {  	[sflag:s26] =	ssyncset.done $0x0  }
0x3b: {  	s3 =	sadd.s32 $0xFFFFF000, s1;
	[sflag:s26] =	ssyncadd.s32 $0xFFFFC000  }
0x3c: {  	[hbm4b:s3+s2] =	stream.linear.scatter [tilespmem:s23], [sflag:$0x8], $0x4000, $0x38;
	[tilespmem:$0x12340] =	vst v63  }
0x3d: {  	_ =	swait.ge [sflag:s28], $0x4000  }
0x3e: {  	[sflag:s28] =	ssyncset.done $0x0  }
0x3f: {  	s4 =	simm.s32 $0x280;
	[sflag:s28] =	ssyncadd.s32 $0xFFFFC000  }
0x40: {  	[tilespmem:s17], [sflag:$0x2] =	stream.indirect.gather.add.f32 [hbm:s0], $0x80, s4, s15, $0xb8;
	[tilespmem:$0x12340] =	vst v63  }
0x41: {  	_ =	swait.ge [sflag:s18], $0x4000  }
0x42: {  	[sflag:s18] =	ssyncset.done $0x0  }
0x43: {  	s3 =	sadd.s32 $0xFFFFF800, s1;
	[sflag:s18] =	ssyncadd.s32 $0xFFFFC000  }
0x44: {  	[hbm4b:s3+s2] =	stream.linear.scatter [tilespmem:s16], [sflag:$0x5], $0x4000, $0x38;
	[tilespmem:$0x12340] =	vst v63  }
0x45: {  	_ =	swait.ge [sflag:s29], $0x4000  }
0x46: {  	[sflag:s29] =	ssyncset.done $0x0  }
0x47: {  	s4 =	simm.s32 $0x300;
	[sflag:s29] =	ssyncadd.s32 $0xFFFFC000  }
0x48: {  	[tilespmem:s20], [sflag:$0x3] =	stream.indirect.gather.add.f32 [hbm:s0], $0x80, s4, s15, $0xb8;
	[tilespmem:$0x12340] =	vst v63  }
0x49: {  	_ =	swait.ge [sflag:s21], $0x4000  }
0x4a: {  	s30 =	simm.s32 $0x800;
	[sflag:s21] =	ssyncset.done $0x0  }
0x4b: {  	s31 =	sadd.s32 $0x2000, s1;
	s12 =	smov.u32 s1;
	[sflag:s21] =	ssyncadd.s32 $0xFFFFC000  }
.LBB2_2:
0x4c: {  	[hbm4b:s12+s2] =	stream.linear.scatter [tilespmem:s17], [sflag:$0x6], $0x4000, $0x38;
	[tilespmem:$0x12340] =	vst v63  }
0x4d: {  	s3 =	smov.u32 s30;
	s12 =	smov.u32 s31  }
0x4e: {  	p1 =	sne.s32 s30, $0x5000;
	s30 =	sadd.s32 $0x800, s30;
	_ =	swait.ge [sflag:s22], $0x4000  }
0x4f: {  	s3 =	sshra.s32 s3, $0x2;
	[sflag:s22] =	ssyncset.done $0x0  }
0x50: {  	s4 =	sadd.s32 $0x180, s3;
	[sflag:s22] =	ssyncadd.s32 $0xFFFFC000  }
0x51: {  	[tilespmem:s23], [sflag:$0x4] =	stream.indirect.gather.add.f32 [hbm:s0], $0x80, s4, s15, $0xb8;
	[tilespmem:$0x12340] =	vst v63  }
0x52: {  	_ =	swait.ge [sflag:s24], $0x4000  }
0x53: {  	[sflag:s24] =	ssyncset.done $0x0  }
0x54: {  	s4 =	sadd.s32 $0xFFFFE800, s31;
	[sflag:s24] =	ssyncadd.s32 $0xFFFFC000  }
0x55: {  	[hbm4b:s4+s2] =	stream.linear.scatter [tilespmem:s20], [sflag:$0x7], $0x4000, $0x38;
	[tilespmem:$0x12340] =	vst v63  }
0x56: {  	_ =	swait.ge [sflag:s25], $0x4000  }
0x57: {  	[sflag:s25] =	ssyncset.done $0x0  }
0x58: {  	s4 =	sadd.s32 $0x200, s3;
	[sflag:s25] =	ssyncadd.s32 $0xFFFFC000  }
0x59: {  	[tilespmem:s16], [sflag:$0x1] =	stream.indirect.gather.add.f32 [hbm:s0], $0x80, s4, s15, $0xb8;
	[tilespmem:$0x12340] =	vst v63  }
0x5a: {  	_ =	swait.ge [sflag:s26], $0x4000  }
0x5b: {  	[sflag:s26] =	ssyncset.done $0x0  }
0x5c: {  	s4 =	sadd.s32 $0xFFFFF000, s31;
	[sflag:s26] =	ssyncadd.s32 $0xFFFFC000  }
0x5d: {  	[hbm4b:s4+s2] =	stream.linear.scatter [tilespmem:s23], [sflag:$0x8], $0x4000, $0x38;
	[tilespmem:$0x12340] =	vst v63  }
0x5e: {  	_ =	swait.ge [sflag:s28], $0x4000  }
0x5f: {  	[sflag:s28] =	ssyncset.done $0x0  }
0x60: {  	s4 =	sadd.s32 $0x280, s3;
	[sflag:s28] =	ssyncadd.s32 $0xFFFFC000  }
0x61: {  	[tilespmem:s17], [sflag:$0x2] =	stream.indirect.gather.add.f32 [hbm:s0], $0x80, s4, s15, $0xb8;
	[tilespmem:$0x12340] =	vst v63  }
0x62: {  	_ =	swait.ge [sflag:s18], $0x4000  }
0x63: {  	[sflag:s18] =	ssyncset.done $0x0  }
0x64: {  	s4 =	sadd.s32 $0xFFFFF800, s31;
	[sflag:s18] =	ssyncadd.s32 $0xFFFFC000  }
0x65: {  	[hbm4b:s4+s2] =	stream.linear.scatter [tilespmem:s16], [sflag:$0x5], $0x4000, $0x38;
	[tilespmem:$0x12340] =	vst v63  }
0x66: {  	_ =	swait.ge [sflag:s29], $0x4000  }
0x67: {  	[sflag:s29] =	ssyncset.done $0x0  }
.Ltmp0:
0x68: {  	s3 =	sadd.s32 $0x300, s3;
	[sflag:s29] =	ssyncadd.s32 $0xFFFFC000;
	(pc) =	sbr.rel @p1 .LBB2_2-.Ltmp0, $4  }
0x69: {  	[tilespmem:s20], [sflag:$0x3] =	stream.indirect.gather.add.f32 [hbm:s0], $0x80, s3, s15, $0xb8;
	[tilespmem:$0x12340] =	vst v63  }
0x6a: {  	_ =	swait.ge [sflag:s21], $0x4000  }
0x6b: {  	[sflag:s21] =	ssyncset.done $0x0  }
0x6c: {  	s31 =	sadd.s32 $0x2000, s31;
	[sflag:s21] =	ssyncadd.s32 $0xFFFFC000  }
0x6d: {  	[hbm4b:s12+s2] =	stream.linear.scatter [tilespmem:s17], [sflag:$0x6], $0x4000, $0x38;
	[tilespmem:$0x12340] =	vst v63  }
0x6e: {  	_ =	swait.ge [sflag:s22], $0x4000  }
0x6f: {  	[sflag:s22] =	ssyncset.done $0x0  }
0x70: {  	s3 =	simm.s32 $0x1780;
	[sflag:s22] =	ssyncadd.s32 $0xFFFFC000  }
0x71: {  	[tilespmem:s23], [sflag:$0x4] =	stream.indirect.gather.add.f32 [hbm:s0], $0x80, s3, s15, $0xb8;
	[tilespmem:$0x12340] =	vst v63  }
0x72: {  	_ =	swait.ge [sflag:s24], $0x4000  }
0x73: {  	[sflag:s24] =	ssyncset.done $0x0  }
0x74: {  	[sflag:s24] =	ssyncadd.s32 $0xFFFFC000  }
0x75: {  	[hbm4b:s7+s2] =	stream.linear.scatter [tilespmem:s20], [sflag:$0x7], $0x4000, $0x38;
	[tilespmem:$0x12340] =	vst v63  }
0x76: {  	_ =	swait.ge [sflag:s25], $0x4000  }
0x77: {  	[sflag:s25] =	ssyncset.done $0x0  }
0x78: {  	s30 =	simm.s32 $0x1800;
	[sflag:s25] =	ssyncadd.s32 $0xFFFFC000  }
0x79: {  	[tilespmem:s16], [sflag:$0x1] =	stream.indirect.gather.add.f32 [hbm:s0], $0x80, s30, s15, $0xb8;
	[tilespmem:$0x12340] =	vst v63  }
0x7a: {  	_ =	swait.ge [sflag:s26], $0x4000  }
0x7b: {  	[sflag:s26] =	ssyncset.done $0x0  }
0x7c: {  	[sflag:s26] =	ssyncadd.s32 $0xFFFFC000  }
0x7d: {  	[hbm4b:s8+s2] =	stream.linear.scatter [tilespmem:s23], [sflag:$0x8], $0x4000, $0x38;
	[tilespmem:$0x12340] =	vst v63  }
0x7e: {  	_ =	swait.ge [sflag:s28], $0x4000  }
0x7f: {  	[sflag:s28] =	ssyncset.done $0x0  }
0x80: {  	s31 =	simm.s32 $0x1880;
	[sflag:s28] =	ssyncadd.s32 $0xFFFFC000  }
0x81: {  	[tilespmem:s17], [sflag:$0x2] =	stream.indirect.gather.add.f32 [hbm:s0], $0x80, s31, s15, $0xb8;
	[tilespmem:$0x12340] =	vst v63  }
0x82: {  	_ =	swait.ge [sflag:s18], $0x4000  }
0x83: {  	[sflag:s18] =	ssyncset.done $0x0  }
0x84: {  	[sflag:s18] =	ssyncadd.s32 $0xFFFFC000  }
0x85: {  	[hbm4b:s9+s2] =	stream.linear.scatter [tilespmem:s16], [sflag:$0x5], $0x4000, $0x38;
	[tilespmem:$0x12340] =	vst v63  }
0x86: {  	_ =	swait.ge [sflag:s29], $0x4000  }
0x87: {  	[sflag:s29] =	ssyncset.done $0x0  }
0x88: {  	[sflag:s29] =	ssyncadd.s32 $0xFFFFC000  }
0x89: {  	_ =	swait.ge [sflag:s21], $0x4000  }
0x8a: {  	[sflag:s21] =	ssyncset.done $0x0  }
0x8b: {  	s19 =	sadd.s32 $0x1, s19;
	[sflag:s21] =	ssyncadd.s32 $0xFFFFC000  }
0x8c: {  	[hbm4b:s10+s2] =	stream.linear.scatter [tilespmem:s17], [sflag:$0x6], $0x4000, $0x38;
	[tilespmem:$0x12340] =	vst v63  }
0x8d: {  	p1 =	sne.s32 s19, s11;
	_ =	swait.ge [sflag:s22], $0x4000  }
.Ltmp1:
0x8e: {  	[sflag:s22] =	ssyncset.done $0x0;
	(pc) =	sbr.rel @p1 .LBB2_1-.Ltmp1, $4  }
0x8f: {  	[sflag:s22] =	ssyncadd.s32 $0xFFFFC000  }
0x90: {  	_ =	swait.ge [sflag:s25], $0x4000  }
0x91: {  	[sflag:s25] =	ssyncset.done $0x0  }
0x92: {  	[sflag:s25] =	ssyncadd.s32 $0xFFFFC000  }
0x93: {  	_ =	sfence.sel $0x180000  }
0x94: {  	[bflag:$0x0] =	sbarrier.arrive $0xFFFF  }
0x95: {  	_ =	strace $0x90000047  }
0x96: {  	[bflag:$0x2] =	sbarrier.arrive $0xFFFF  }
0x97: {  	s0 =	rddreg [dreg:$0x4]  }
0x98: {  	s0 =	sadd.s32 @!p0 $0x100000, s0  }
0x99: {  	[sflag:s0] =	ssyncadd.tile.s32 @!p0 $0x1;
	_ =	shalt  }
.Lfunc_end2:
_tile_overlayer_lowered:
.L_overlay_start_2:
0x9a: {  	(tag) =	ssettag $0x2  }
0x9b: {  	s0 =	rddreg [dreg:$0x0];
	s2 =	stileid.u32  }
0x9c: {  	s1 =	rddreg [dreg:$0x1];
	p0 =	sne.s32 s2, $0x0  }
0x9d: {  	s3 =	rddreg [dreg:$0x2];
	[bflag:$0x3] =	sbarrier.arrive $0xFFFF;
	s2 =	simm.s32 @!p0 $0x1C09  }
0x9e: {  	[timem:s3], [sflag:s2] =	dma.local @!p0 [hbm:s0], s1  }
0x9f: {  	s0 =	simm.s32 @!p0 $0x9  }
0xa0: {  	_ =	swait.ge @!p0 [sflag:s0], s1  }
0xa1: {  	s1 =	ssub.s32 @!p0 $0x0, s1;
	[sflag:s0] =	ssyncset.done @!p0 $0x0  }
0xa2: {  	[sflag:s0] =	ssyncadd.s32 @!p0 s1  }
0xa3: {  	[bflag:$0x3] =	sbarrier.arrive $0xFFFF  }
0xa4: {  	_ =	shalt  }

</sc_bundles>
